<compile_context>
chip_gen: v7x
topology: tpu7x:2x2x1
jax: 0.10.2.dev20260603
libtpu: 0.0.44.dev20260713+nightly
codegen_flags: <defaults>
</compile_context>

<pallas_src>
import jax
import jax.numpy as jnp
import numpy as np
from jax import lax
from jax.experimental import pallas as pl
from jax.experimental.pallas import tpu as pltpu
from jax.experimental.pallas import tpu_sc as plsc

N1 = 256
B = 1024
SIZES = tuple(range(5, 13))
NS_OUT = len(SIZES)
OUT_ROW = 12 * 12 * NS_OUT
LANES = 16

_scale_idx = {s: [i * (N1 - 1) // (s - 1) for i in range(s)] for s in SIZES}
_union = sorted({i for v in _scale_idx.values() for i in v})
NU = len(_union)
_pos = {v: i for i, v in enumerate(_union)}
NU_PAD = 48
_u43 = np.array(_union + [0] * (NU_PAD - NU), dtype=np.int32)

_gr, _gc, _sp = [], [], []
for r in range(12):
    for c in range(12):
        for si, s in enumerate(SIZES):
            if r < s and c < s:
                _gr.append(_pos[_scale_idx[s][r]])
                _gc.append(_scale_idx[s][c])
                _sp.append((r * 12 + c) * NS_OUT + si)
NVALID = len(_gr)
NVEC = -(-NVALID // LANES)
NTAIL = NVALID - (NVEC - 1) * LANES
_pad = NVEC * LANES - NVALID
_gr = np.array(_gr + [0] * _pad, dtype=np.int32)
_gc = np.array(_gc + [0] * _pad, dtype=np.int32)
_sp = np.array(_sp + [0] * _pad, dtype=np.int32)
_tab = np.concatenate([_u43, _gr, _gc, _sp])
_OFF_GR = NU_PAD
_OFF_GC = NU_PAD + NVEC * LANES
_OFF_SP = NU_PAD + 2 * NVEC * LANES

NC, NSUB = 2, 16
NW = NC * NSUB
B_PER_W = B // NW
NBUF = 8
NGRP = B_PER_W // NBUF


def _sc_body(in_hbm, tab_hbm, out_hbm, tab_v, rows_v, outb_v, semg, semo):
    wid = lax.axis_index("s") * NC + lax.axis_index("c")
    base = wid * B_PER_W

    pltpu.sync_copy(tab_hbm, tab_v)

    zeros = jnp.zeros((LANES,), jnp.float32)

    def zero_vec(j, _):
        outb_v[pl.ds(j * LANES, LANES)] = zeros
        return 0

    lax.fori_loop(0, NBUF * OUT_ROW // LANES, zero_vec, 0)

    def gather_cp(i, b):
        return pltpu.make_async_copy(
            in_hbm.at[b].at[tab_v.at[pl.ds(0, NU_PAD)]],
            rows_v.at[i], semg.at[i])

    def out_cp(i, b):
        return pltpu.make_async_copy(outb_v.at[pl.ds(i * OUT_ROW, OUT_ROW)],
                                     out_hbm.at[b], semo.at[i])

    def fire(i, _):
        gather_cp(i, base + i).start()
        return 0

    lax.fori_loop(0, NBUF, fire, 0)

    tail_mask = lax.iota(jnp.int32, LANES) < NTAIL

    def per_batch(bl, _):
        i = lax.rem(bl, NBUF)
        b = base + bl
        obase = i * OUT_ROW
        gather_cp(i, b).wait()

        @pl.when(bl >= NBUF)
        def _():
            out_cp(i, b).wait()

        def move_vec(k, _):
            o = k * LANES
            vals = plsc.load_gather(
                rows_v.at[i], [tab_v[pl.ds(_OFF_GR + o, LANES)],
                               tab_v[pl.ds(_OFF_GC + o, LANES)]])
            plsc.store_scatter(outb_v,
                               [tab_v[pl.ds(_OFF_SP + o, LANES)] + obase],
                               vals)
            return 0

        lax.fori_loop(0, NVEC - 1, move_vec, 0, unroll=8)
        o = (NVEC - 1) * LANES
        vals = plsc.load_gather(
            rows_v.at[i], [tab_v[pl.ds(_OFF_GR + o, LANES)],
                           tab_v[pl.ds(_OFF_GC + o, LANES)]])
        plsc.store_scatter(outb_v,
                           [tab_v[pl.ds(_OFF_SP + o, LANES)] + obase],
                           vals, mask=tail_mask)

        out_cp(i, b).start()

        @pl.when(bl < B_PER_W - NBUF)
        def _():
            gather_cp(i, b + NBUF).start()
        return 0

    lax.fori_loop(0, B_PER_W, per_batch, 0)

    def drain(i, _):
        out_cp(i, base).wait()
        return 0

    lax.fori_loop(0, NBUF, drain, 0)


@jax.jit
def kernel(inputs):
    mesh = plsc.VectorSubcoreMesh(core_axis_name="c", subcore_axis_name="s")
    run = pl.kernel(
        _sc_body,
        out_type=jax.ShapeDtypeStruct((B, OUT_ROW), jnp.float32),
        mesh=mesh,
        compiler_params=pltpu.CompilerParams(use_tc_tiling_on_sc=True,
                                             needs_layout_passes=False),
        scratch_types=[
            pltpu.VMEM((_tab.size,), jnp.int32),
            pltpu.VMEM((NBUF, NU_PAD, N1), jnp.float32),
            pltpu.VMEM((NBUF * OUT_ROW,), jnp.float32),
            pltpu.SemaphoreType.DMA((NBUF,)),
            pltpu.SemaphoreType.DMA((NBUF,)),
        ],
    )
    out = run(inputs, jnp.asarray(_tab))
    return out.reshape(B, 12, 12, NS_OUT)

# --- scband reference (transcript-rebuilt; emitter-appended) ---
"""Pipeline reference for scband-get-global-form-41875931136254 (READ-ONLY COPY).

The authoritative reference and input builder live on the scoring server;
editing this copy changes nothing except your own understanding.
"""

import jax, jax.numpy as jnp
import numpy as np


def setup_inputs(seed: int = 0) -> dict:
    key = jax.random.key(seed)
    inputs = jax.random.normal(key, (1024, 256, 256), dtype=jnp.float32)
    return {"inputs": inputs}


def reference(inputs):
    n1 = inputs.shape[1]
    matrices = []
    for size in range(5, 13):
        indices1 = jnp.array([i * (n1 - 1) // (size - 1) for i in range(size)], dtype=jnp.int32)
        sub_matrix = jnp.take(inputs, indices1, axis=1)
        sub_matrix = jnp.take(sub_matrix, indices1, axis=2)
        pad_rows = 12 - sub_matrix.shape[1]
        pad_cols = 12 - sub_matrix.shape[2]
        sub_matrix_padded = jnp.pad(sub_matrix, ((0, 0), (0, pad_rows), (0, pad_cols)))
        matrices.append(sub_matrix_padded)
    return jnp.stack(matrices, axis=-1)

if __name__ == "__main__":
    import jax
    _d = setup_inputs()
    print(jax.jit(kernel)(*tuple(_d.values())))

</pallas_src>

<mosaic_0001>
#map = affine_map<(d0, d1) -> (0, 0, 0)>
#map1 = affine_map<(d0, d1) -> (0)>
#map2 = affine_map<(d0, d1) -> (0, 0)>
module attributes {stable_mosaic.version = 14 : i64} {
  func.func @_sc_body(%arg0: i32, %arg1: i32, %arg2: memref<1024x256x256xf32, #tpu.memory_space<hbm>>, %arg3: memref<1920xi32, #tpu.memory_space<hbm>>, %arg4: memref<1024x1152xf32, #tpu.memory_space<hbm>>, %arg5: memref<1920xi32, #tpu.memory_space<vmem>>, %arg6: memref<8x48x256xf32, #tpu.memory_space<vmem>>, %arg7: memref<9216xf32, #tpu.memory_space<vmem>>, %arg8: memref<8x!tpu.dma_semaphore, #tpu.memory_space<semaphore_mem>>, %arg9: memref<8x!tpu.dma_semaphore, #tpu.memory_space<semaphore_mem>>) attributes {dimension_semantics = [#tpu.dimension_semantics<core_parallel>, #tpu.dimension_semantics<subcore_parallel>], iteration_bounds = array<i64: 2, 16>, scalar_prefetch = 0 : i64, scratch_operands = 5 : i64, tpu.core_type = #tpu.core_type<sc_vector_subcore>, window_params = [{transform_indices = #map}, {transform_indices = #map1}, {transform_indices = #map2}]} {
    %mul3A = arith.constant 2 : i32
    %mul3A_0 = arith.muli %arg1, %mul3A : i32
    %add3A = arith.addi %mul3A_0, %arg0 : i32
    %mul3A_1 = arith.constant 32 : i32
    %mul3A_2 = arith.muli %add3A, %mul3A_1 : i32
    "tpu.region"() ({
      %run_scoped3A = tpu.sem_alloc : memref<!tpu.dma_semaphore, #tpu.memory_space<semaphore_mem>>
      tpu.enqueue_dma source(%arg3 : memref<1920xi32, #tpu.memory_space<hbm>>) target(%arg5 : memref<1920xi32, #tpu.memory_space<vmem>>) target_semaphore(%run_scoped3A : memref<!tpu.dma_semaphore, #tpu.memory_space<semaphore_mem>>)
      tpu.wait_dma2 semaphore(%run_scoped3A : memref<!tpu.dma_semaphore, #tpu.memory_space<semaphore_mem>>) src(%arg3 : memref<1920xi32, #tpu.memory_space<hbm>>) dst(%arg5 : memref<1920xi32, #tpu.memory_space<vmem>>)
      tpu.yield
    }) : () -> ()
    %broadcast_in_dim3A = arith.constant 0.000000e+00 : f32
    %broadcast_in_dim3A_3 = vector.broadcast %broadcast_in_dim3A : f32 to vector<16xf32>
    %scan3A = arith.constant 0 : i32
    %scan3A_4 = arith.constant 0 : i32
    %scan3A_5 = arith.constant 576 : i32
    %scan3A_6 = arith.addi %scan3A_4, %scan3A_5 : i32
    %scan3A_7 = arith.constant 1 : i32
    %scan3A_8 = scf.for %scan3A_33 = %scan3A_4 to %scan3A_6 step %scan3A_7 iter_args(%scan3A_34 = %scan3A) -> (i32)  : i32 {
      %mul3A_35 = arith.constant 16 : i32
      %mul3A_36 = arith.muli %scan3A_33, %mul3A_35 : i32
      %swap3A = arith.index_cast %mul3A_36 : i32 to index
      %swap3A_37 = tpu.vector_load %arg7[%swap3A] {strides = array<i32>} : memref<9216xf32, #tpu.memory_space<vmem>>, vector<16xf32>,
      tpu.vector_store %arg7[%swap3A], %broadcast_in_dim3A_3 {strides = array<i32>} : memref<9216xf32, #tpu.memory_space<vmem>>, vector<16xf32>,
      %scan3A_38 = arith.constant 0 : i32
      scf.yield %scan3A_38 : i32
    }
    %scan3A_9 = arith.constant 576 : i32
    %scan3A_10 = arith.constant 0 : i32
    %scan3A_11 = arith.constant 0 : i32
    %scan3A_12 = arith.constant 8 : i32
    %scan3A_13 = arith.addi %scan3A_11, %scan3A_12 : i32
    %scan3A_14 = arith.constant 1 : i32
    %scan3A_15 = scf.for %scan3A_33 = %scan3A_11 to %scan3A_13 step %scan3A_14 iter_args(%scan3A_34 = %scan3A_10) -> (i32)  : i32 {
      %add3A_35 = arith.addi %mul3A_2, %scan3A_33 : i32
      %dma_start3A = arith.constant 0 : i32
      %dma_start3A_36 = arith.constant 0 : i32
      %dma_start3A_37 = tpu.memref_slice %arg6[%scan3A_33, %dma_start3A, %dma_start3A_36] : memref<8x48x256xf32, #tpu.memory_space<vmem>> -> memref<1x48x256xf32, #tpu.memory_space<vmem>>
      %dma_start3A_38 = tpu.memref_squeeze %dma_start3A_37 : memref<1x48x256xf32, #tpu.memory_space<vmem>> -> memref<48x256xf32, #tpu.memory_space<vmem>>
      %dma_start3A_39 = arith.constant 0 : i32
      %dma_start3A_40 = tpu.memref_slice %arg5[%dma_start3A_39] : memref<1920xi32, #tpu.memory_space<vmem>> -> memref<48xi32, #tpu.memory_space<vmem>>
      %dma_start3A_41 = arith.constant 0 : i32
      %dma_start3A_42 = arith.constant 0 : i32
      %dma_start3A_43 = tpu.memref_slice %arg2[%add3A_35, %dma_start3A_41, %dma_start3A_42] : memref<1024x256x256xf32, #tpu.memory_space<hbm>> -> memref<1x256x256xf32, #tpu.memory_space<hbm>>
      %dma_start3A_44 = tpu.memref_squeeze %dma_start3A_43 : memref<1x256x256xf32, #tpu.memory_space<hbm>> -> memref<256x256xf32, #tpu.memory_space<hbm>>
      %dma_start3A_45 = arith.constant 0 : i32
      %dma_start3A_46 = arith.constant 0 : i32
      %dma_start3A_47 = tpu.memref_slice %dma_start3A_44[%dma_start3A_45, %dma_start3A_46] : memref<256x256xf32, #tpu.memory_space<hbm>> -> memref<256x256xf32, #tpu.memory_space<hbm>>
      %dma_start3A_48 = tpu.memref_slice %arg8[%scan3A_33] : memref<8x!tpu.dma_semaphore, #tpu.memory_space<semaphore_mem>> -> memref<1x!tpu.dma_semaphore, #tpu.memory_space<semaphore_mem>>
      %dma_start3A_49 = tpu.memref_squeeze %dma_start3A_48 : memref<1x!tpu.dma_semaphore, #tpu.memory_space<semaphore_mem>> -> memref<!tpu.dma_semaphore, #tpu.memory_space<semaphore_mem>>
      tpu.enqueue_indirect_dma source(%dma_start3A_47 : memref<256x256xf32, #tpu.memory_space<hbm>>) target(%dma_start3A_38 : memref<48x256xf32, #tpu.memory_space<vmem>>) offsets(%dma_start3A_40 : memref<48xi32, #tpu.memory_space<vmem>>) semaphore(%dma_start3A_49 : memref<!tpu.dma_semaphore, #tpu.memory_space<semaphore_mem>>)
      %scan3A_50 = arith.constant 0 : i32
      scf.yield %scan3A_50 : i32
    }
    %scan3A_16 = arith.constant 8 : i32
    %iota3A = tpu.iota {dimensions = array<i32: 0>} : vector<16xi32>
    %lt3A = arith.constant 12 : i32
    %lt3A_17 = vector.broadcast %lt3A : i32 to vector<16xi32>
    %lt3A_18 = arith.cmpi slt, %iota3A, %lt3A_17 : vector<16xi32>
    %scan3A_19 = arith.constant 0 : i32
    %scan3A_20 = arith.constant 0 : i32
    %scan3A_21 = arith.constant 32 : i32
    %scan3A_22 = arith.addi %scan3A_20, %scan3A_21 : i32
    %scan3A_23 = arith.constant 1 : i32
    %scan3A_24 = scf.for %scan3A_33 = %scan3A_20 to %scan3A_22 step %scan3A_23 iter_args(%scan3A_34 = %scan3A_19) -> (i32)  : i32 {
      %rem3A = arith.constant 8 : i32
      %rem3A_35 = arith.remsi %scan3A_33, %rem3A : i32
      %add3A_36 = arith.addi %mul3A_2, %scan3A_33 : i32
      %mul3A_37 = arith.constant 1152 : i32
      %mul3A_38 = arith.muli %rem3A_35, %mul3A_37 : i32
      %dma_wait3A = arith.constant 0 : i32
      %dma_wait3A_39 = arith.constant 0 : i32
      %dma_wait3A_40 = tpu.memref_slice %arg6[%rem3A_35, %dma_wait3A, %dma_wait3A_39] : memref<8x48x256xf32, #tpu.memory_space<vmem>> -> memref<1x48x256xf32, #tpu.memory_space<vmem>>
      %dma_wait3A_41 = tpu.memref_squeeze %dma_wait3A_40 : memref<1x48x256xf32, #tpu.memory_space<vmem>> -> memref<48x256xf32, #tpu.memory_space<vmem>>
      %dma_wait3A_42 = arith.constant 0 : i32
      %dma_wait3A_43 = tpu.memref_slice %arg5[%dma_wait3A_42] : memref<1920xi32, #tpu.memory_space<vmem>> -> memref<48xi32, #tpu.memory_space<vmem>>
      %dma_wait3A_44 = arith.constant 0 : i32
      %dma_wait3A_45 = arith.constant 0 : i32
      %dma_wait3A_46 = tpu.memref_slice %arg2[%add3A_36, %dma_wait3A_44, %dma_wait3A_45] : memref<1024x256x256xf32, #tpu.memory_space<hbm>> -> memref<1x256x256xf32, #tpu.memory_space<hbm>>
      %dma_wait3A_47 = tpu.memref_squeeze %dma_wait3A_46 : memref<1x256x256xf32, #tpu.memory_space<hbm>> -> memref<256x256xf32, #tpu.memory_space<hbm>>
      %dma_wait3A_48 = arith.constant 0 : i32
      %dma_wait3A_49 = arith.constant 0 : i32
      %dma_wait3A_50 = tpu.memref_slice %dma_wait3A_47[%dma_wait3A_48, %dma_wait3A_49] : memref<256x256xf32, #tpu.memory_space<hbm>> -> memref<256x256xf32, #tpu.memory_space<hbm>>
      %dma_wait3A_51 = tpu.memref_slice %arg8[%rem3A_35] : memref<8x!tpu.dma_semaphore, #tpu.memory_space<semaphore_mem>> -> memref<1x!tpu.dma_semaphore, #tpu.memory_space<semaphore_mem>>
      %dma_wait3A_52 = tpu.memref_squeeze %dma_wait3A_51 : memref<1x!tpu.dma_semaphore, #tpu.memory_space<semaphore_mem>> -> memref<!tpu.dma_semaphore, #tpu.memory_space<semaphore_mem>>
      tpu.wait_indirect_dma semaphore(%dma_wait3A_52 : memref<!tpu.dma_semaphore, #tpu.memory_space<semaphore_mem>>) src(%dma_wait3A_50 : memref<256x256xf32, #tpu.memory_space<hbm>>) dst(%dma_wait3A_41 : memref<48x256xf32, #tpu.memory_space<vmem>>)
      %ge3A = arith.constant 8 : i32
      %ge3A_53 = arith.cmpi sge, %scan3A_33, %ge3A : i32
      %convert_element_type3A = arith.extui %ge3A_53 : i1 to i32
      %cond3A = arith.constant 0 : i32
      %cond3A_54 = arith.cmpi ne, %convert_element_type3A, %cond3A : i32
      scf.if %cond3A_54 {
        %mul3A_234 = arith.constant 1152 : i32
        %mul3A_235 = arith.muli %rem3A_35, %mul3A_234 : i32
        %dma_wait3A_236 = tpu.memref_slice %arg7[%mul3A_235] : memref<9216xf32, #tpu.memory_space<vmem>> -> memref<1152xf32, #tpu.memory_space<vmem>>
        %dma_wait3A_237 = arith.constant 0 : i32
        %dma_wait3A_238 = tpu.memref_slice %arg4[%add3A_36, %dma_wait3A_237] : memref<1024x1152xf32, #tpu.memory_space<hbm>> -> memref<1x1152xf32, #tpu.memory_space<hbm>>
        %dma_wait3A_239 = tpu.memref_squeeze %dma_wait3A_238 : memref<1x1152xf32, #tpu.memory_space<hbm>> -> memref<1152xf32, #tpu.memory_space<hbm>>
        %dma_wait3A_240 = tpu.memref_slice %arg9[%rem3A_35] : memref<8x!tpu.dma_semaphore, #tpu.memory_space<semaphore_mem>> -> memref<1x!tpu.dma_semaphore, #tpu.memory_space<semaphore_mem>>
        %dma_wait3A_241 = tpu.memref_squeeze %dma_wait3A_240 : memref<1x!tpu.dma_semaphore, #tpu.memory_space<semaphore_mem>> -> memref<!tpu.dma_semaphore, #tpu.memory_space<semaphore_mem>>
        %dma_wait3A_242 = arith.constant 0 : i32
        %dma_wait3A_243 = tpu.memref_slice %arg4[%add3A_36, %dma_wait3A_242] : memref<1024x1152xf32, #tpu.memory_space<hbm>> -> memref<1x1152xf32, #tpu.memory_space<hbm>>
        %dma_wait3A_244 = tpu.memref_squeeze %dma_wait3A_243 : memref<1x1152xf32, #tpu.memory_space<hbm>> -> memref<1152xf32, #tpu.memory_space<hbm>>
        %dma_wait3A_245 = tpu.memref_slice %arg7[%mul3A_235] : memref<9216xf32, #tpu.memory_space<vmem>> -> memref<1152xf32, #tpu.memory_space<vmem>>
        tpu.wait_dma2 semaphore(%dma_wait3A_241 : memref<!tpu.dma_semaphore, #tpu.memory_space<semaphore_mem>>) src(%dma_wait3A_245 : memref<1152xf32, #tpu.memory_space<vmem>>) dst(%dma_wait3A_244 : memref<1152xf32, #tpu.memory_space<hbm>>)
      } else {
      }
      %scan3A_55 = arith.constant 0 : i32
      %scan3A_56 = arith.constant 0 : i32
      %scan3A_57 = arith.constant 32 : i32
      %scan3A_58 = arith.addi %scan3A_56, %scan3A_57 : i32
      %scan3A_59 = arith.constant 8 : i32
      %scan3A_60 = scf.for %scan3A_234 = %scan3A_56 to %scan3A_58 step %scan3A_59 iter_args(%scan3A_235 = %scan3A_55) -> (i32)  : i32 {
        %mul3A_236 = arith.constant 16 : i32
        %mul3A_237 = arith.muli %scan3A_234, %mul3A_236 : i32
        %add3A_238 = arith.constant 48 : i32
        %add3A_239 = arith.addi %add3A_238, %mul3A_237 : i32
        %get3A_240 = arith.index_cast %add3A_239 : i32 to index
        %get3A_241 = tpu.vector_load %arg5[%get3A_240] {strides = array<i32>} : memref<1920xi32, #tpu.memory_space<vmem>>, vector<16xi32>,
        %add3A_242 = arith.constant 672 : i32
        %add3A_243 = arith.addi %add3A_242, %mul3A_237 : i32
        %get3A_244 = arith.index_cast %add3A_243 : i32 to index
        %get3A_245 = tpu.vector_load %arg5[%get3A_244] {strides = array<i32>} : memref<1920xi32, #tpu.memory_space<vmem>>, vector<16xi32>,
        %gather3A_246 = arith.constant 0 : i32
        %gather3A_247 = arith.constant 0 : i32
        %gather3A_248 = tpu.memref_slice %arg6[%rem3A_35, %gather3A_246, %gather3A_247] : memref<8x48x256xf32, #tpu.memory_space<vmem>> -> memref<1x48x256xf32, #tpu.memory_space<vmem>>
        %gather3A_249 = tpu.memref_squeeze %gather3A_248 : memref<1x48x256xf32, #tpu.memory_space<vmem>> -> memref<48x256xf32, #tpu.memory_space<vmem>>
        %gather3A_250 = tpu.vector_load_idx %gather3A_249[%get3A_241, %get3A_245] : memref<48x256xf32, #tpu.memory_space<vmem>>[vector<16xi32>, vector<16xi32>], vector<16xf32>,
        %add3A_251 = arith.constant 1296 : i32
        %add3A_252 = arith.addi %add3A_251, %mul3A_237 : i32
        %get3A_253 = arith.index_cast %add3A_252 : i32 to index
        %get3A_254 = tpu.vector_load %arg5[%get3A_253] {strides = array<i32>} : memref<1920xi32, #tpu.memory_space<vmem>>, vector<16xi32>,
        %add3A_255 = vector.broadcast %mul3A_38 : i32 to vector<16xi32>
        %add3A_256 = arith.addi %get3A_254, %add3A_255 : vector<16xi32>
        tpu.vector_store_idx %arg7[%add3A_256], %gather3A_250 : memref<9216xf32, #tpu.memory_space<vmem>>[vector<16xi32>], vector<16xf32>,
        %scan3A_257 = arith.constant 0 : i32
        %scan3A_258 = arith.constant 1 : i32
        %scan3A_259 = arith.addi %scan3A_234, %scan3A_258 : i32
        %mul3A_260 = arith.constant 16 : i32
        %mul3A_261 = arith.muli %scan3A_259, %mul3A_260 : i32
        %add3A_262 = arith.constant 48 : i32
        %add3A_263 = arith.addi %add3A_262, %mul3A_261 : i32
        %get3A_264 = arith.index_cast %add3A_263 : i32 to index
        %get3A_265 = tpu.vector_load %arg5[%get3A_264] {strides = array<i32>} : memref<1920xi32, #tpu.memory_space<vmem>>, vector<16xi32>,
        %add3A_266 = arith.constant 672 : i32
        %add3A_267 = arith.addi %add3A_266, %mul3A_261 : i32
        %get3A_268 = arith.index_cast %add3A_267 : i32 to index
        %get3A_269 = tpu.vector_load %arg5[%get3A_268] {strides = array<i32>} : memref<1920xi32, #tpu.memory_space<vmem>>, vector<16xi32>,
        %gather3A_270 = arith.constant 0 : i32
        %gather3A_271 = arith.constant 0 : i32
        %gather3A_272 = tpu.memref_slice %arg6[%rem3A_35, %gather3A_270, %gather3A_271] : memref<8x48x256xf32, #tpu.memory_space<vmem>> -> memref<1x48x256xf32, #tpu.memory_space<vmem>>
        %gather3A_273 = tpu.memref_squeeze %gather3A_272 : memref<1x48x256xf32, #tpu.memory_space<vmem>> -> memref<48x256xf32, #tpu.memory_space<vmem>>
        %gather3A_274 = tpu.vector_load_idx %gather3A_273[%get3A_265, %get3A_269] : memref<48x256xf32, #tpu.memory_space<vmem>>[vector<16xi32>, vector<16xi32>], vector<16xf32>,
        %add3A_275 = arith.constant 1296 : i32
        %add3A_276 = arith.addi %add3A_275, %mul3A_261 : i32
        %get3A_277 = arith.index_cast %add3A_276 : i32 to index
        %get3A_278 = tpu.vector_load %arg5[%get3A_277] {strides = array<i32>} : memref<1920xi32, #tpu.memory_space<vmem>>, vector<16xi32>,
        %add3A_279 = vector.broadcast %mul3A_38 : i32 to vector<16xi32>
        %add3A_280 = arith.addi %get3A_278, %add3A_279 : vector<16xi32>
        tpu.vector_store_idx %arg7[%add3A_280], %gather3A_274 : memref<9216xf32, #tpu.memory_space<vmem>>[vector<16xi32>], vector<16xf32>,
        %scan3A_281 = arith.constant 0 : i32
        %scan3A_282 = arith.constant 2 : i32
        %scan3A_283 = arith.addi %scan3A_234, %scan3A_282 : i32
        %mul3A_284 = arith.constant 16 : i32
        %mul3A_285 = arith.muli %scan3A_283, %mul3A_284 : i32
        %add3A_286 = arith.constant 48 : i32
        %add3A_287 = arith.addi %add3A_286, %mul3A_285 : i32
        %get3A_288 = arith.index_cast %add3A_287 : i32 to index
        %get3A_289 = tpu.vector_load %arg5[%get3A_288] {strides = array<i32>} : memref<1920xi32, #tpu.memory_space<vmem>>, vector<16xi32>,
        %add3A_290 = arith.constant 672 : i32
        %add3A_291 = arith.addi %add3A_290, %mul3A_285 : i32
        %get3A_292 = arith.index_cast %add3A_291 : i32 to index
        %get3A_293 = tpu.vector_load %arg5[%get3A_292] {strides = array<i32>} : memref<1920xi32, #tpu.memory_space<vmem>>, vector<16xi32>,
        %gather3A_294 = arith.constant 0 : i32
        %gather3A_295 = arith.constant 0 : i32
        %gather3A_296 = tpu.memref_slice %arg6[%rem3A_35, %gather3A_294, %gather3A_295] : memref<8x48x256xf32, #tpu.memory_space<vmem>> -> memref<1x48x256xf32, #tpu.memory_space<vmem>>
        %gather3A_297 = tpu.memref_squeeze %gather3A_296 : memref<1x48x256xf32, #tpu.memory_space<vmem>> -> memref<48x256xf32, #tpu.memory_space<vmem>>
        %gather3A_298 = tpu.vector_load_idx %gather3A_297[%get3A_289, %get3A_293] : memref<48x256xf32, #tpu.memory_space<vmem>>[vector<16xi32>, vector<16xi32>], vector<16xf32>,
        %add3A_299 = arith.constant 1296 : i32
        %add3A_300 = arith.addi %add3A_299, %mul3A_285 : i32
        %get3A_301 = arith.index_cast %add3A_300 : i32 to index
        %get3A_302 = tpu.vector_load %arg5[%get3A_301] {strides = array<i32>} : memref<1920xi32, #tpu.memory_space<vmem>>, vector<16xi32>,
        %add3A_303 = vector.broadcast %mul3A_38 : i32 to vector<16xi32>
        %add3A_304 = arith.addi %get3A_302, %add3A_303 : vector<16xi32>
        tpu.vector_store_idx %arg7[%add3A_304], %gather3A_298 : memref<9216xf32, #tpu.memory_space<vmem>>[vector<16xi32>], vector<16xf32>,
        %scan3A_305 = arith.constant 0 : i32
        %scan3A_306 = arith.constant 3 : i32
        %scan3A_307 = arith.addi %scan3A_234, %scan3A_306 : i32
        %mul3A_308 = arith.constant 16 : i32
        %mul3A_309 = arith.muli %scan3A_307, %mul3A_308 : i32
        %add3A_310 = arith.constant 48 : i32
        %add3A_311 = arith.addi %add3A_310, %mul3A_309 : i32
        %get3A_312 = arith.index_cast %add3A_311 : i32 to index
        %get3A_313 = tpu.vector_load %arg5[%get3A_312] {strides = array<i32>} : memref<1920xi32, #tpu.memory_space<vmem>>, vector<16xi32>,
        %add3A_314 = arith.constant 672 : i32
        %add3A_315 = arith.addi %add3A_314, %mul3A_309 : i32
        %get3A_316 = arith.index_cast %add3A_315 : i32 to index
        %get3A_317 = tpu.vector_load %arg5[%get3A_316] {strides = array<i32>} : memref<1920xi32, #tpu.memory_space<vmem>>, vector<16xi32>,
        %gather3A_318 = arith.constant 0 : i32
        %gather3A_319 = arith.constant 0 : i32
        %gather3A_320 = tpu.memref_slice %arg6[%rem3A_35, %gather3A_318, %gather3A_319] : memref<8x48x256xf32, #tpu.memory_space<vmem>> -> memref<1x48x256xf32, #tpu.memory_space<vmem>>
        %gather3A_321 = tpu.memref_squeeze %gather3A_320 : memref<1x48x256xf32, #tpu.memory_space<vmem>> -> memref<48x256xf32, #tpu.memory_space<vmem>>
        %gather3A_322 = tpu.vector_load_idx %gather3A_321[%get3A_313, %get3A_317] : memref<48x256xf32, #tpu.memory_space<vmem>>[vector<16xi32>, vector<16xi32>], vector<16xf32>,
        %add3A_323 = arith.constant 1296 : i32
        %add3A_324 = arith.addi %add3A_323, %mul3A_309 : i32
        %get3A_325 = arith.index_cast %add3A_324 : i32 to index
        %get3A_326 = tpu.vector_load %arg5[%get3A_325] {strides = array<i32>} : memref<1920xi32, #tpu.memory_space<vmem>>, vector<16xi32>,
        %add3A_327 = vector.broadcast %mul3A_38 : i32 to vector<16xi32>
        %add3A_328 = arith.addi %get3A_326, %add3A_327 : vector<16xi32>
        tpu.vector_store_idx %arg7[%add3A_328], %gather3A_322 : memref<9216xf32, #tpu.memory_space<vmem>>[vector<16xi32>], vector<16xf32>,
        %scan3A_329 = arith.constant 0 : i32
        %scan3A_330 = arith.constant 4 : i32
        %scan3A_331 = arith.addi %scan3A_234, %scan3A_330 : i32
        %mul3A_332 = arith.constant 16 : i32
        %mul3A_333 = arith.muli %scan3A_331, %mul3A_332 : i32
        %add3A_334 = arith.constant 48 : i32
        %add3A_335 = arith.addi %add3A_334, %mul3A_333 : i32
        %get3A_336 = arith.index_cast %add3A_335 : i32 to index
        %get3A_337 = tpu.vector_load %arg5[%get3A_336] {strides = array<i32>} : memref<1920xi32, #tpu.memory_space<vmem>>, vector<16xi32>,
        %add3A_338 = arith.constant 672 : i32
        %add3A_339 = arith.addi %add3A_338, %mul3A_333 : i32
        %get3A_340 = arith.index_cast %add3A_339 : i32 to index
        %get3A_341 = tpu.vector_load %arg5[%get3A_340] {strides = array<i32>} : memref<1920xi32, #tpu.memory_space<vmem>>, vector<16xi32>,
        %gather3A_342 = arith.constant 0 : i32
        %gather3A_343 = arith.constant 0 : i32
        %gather3A_344 = tpu.memref_slice %arg6[%rem3A_35, %gather3A_342, %gather3A_343] : memref<8x48x256xf32, #tpu.memory_space<vmem>> -> memref<1x48x256xf32, #tpu.memory_space<vmem>>
        %gather3A_345 = tpu.memref_squeeze %gather3A_344 : memref<1x48x256xf32, #tpu.memory_space<vmem>> -> memref<48x256xf32, #tpu.memory_space<vmem>>
        %gather3A_346 = tpu.vector_load_idx %gather3A_345[%get3A_337, %get3A_341] : memref<48x256xf32, #tpu.memory_space<vmem>>[vector<16xi32>, vector<16xi32>], vector<16xf32>,
        %add3A_347 = arith.constant 1296 : i32
        %add3A_348 = arith.addi %add3A_347, %mul3A_333 : i32
        %get3A_349 = arith.index_cast %add3A_348 : i32 to index
        %get3A_350 = tpu.vector_load %arg5[%get3A_349] {strides = array<i32>} : memref<1920xi32, #tpu.memory_space<vmem>>, vector<16xi32>,
        %add3A_351 = vector.broadcast %mul3A_38 : i32 to vector<16xi32>
        %add3A_352 = arith.addi %get3A_350, %add3A_351 : vector<16xi32>
        tpu.vector_store_idx %arg7[%add3A_352], %gather3A_346 : memref<9216xf32, #tpu.memory_space<vmem>>[vector<16xi32>], vector<16xf32>,
        %scan3A_353 = arith.constant 0 : i32
        %scan3A_354 = arith.constant 5 : i32
        %scan3A_355 = arith.addi %scan3A_234, %scan3A_354 : i32
        %mul3A_356 = arith.constant 16 : i32
        %mul3A_357 = arith.muli %scan3A_355, %mul3A_356 : i32
        %add3A_358 = arith.constant 48 : i32
        %add3A_359 = arith.addi %add3A_358, %mul3A_357 : i32
        %get3A_360 = arith.index_cast %add3A_359 : i32 to index
        %get3A_361 = tpu.vector_load %arg5[%get3A_360] {strides = array<i32>} : memref<1920xi32, #tpu.memory_space<vmem>>, vector<16xi32>,
        %add3A_362 = arith.constant 672 : i32
        %add3A_363 = arith.addi %add3A_362, %mul3A_357 : i32
        %get3A_364 = arith.index_cast %add3A_363 : i32 to index
        %get3A_365 = tpu.vector_load %arg5[%get3A_364] {strides = array<i32>} : memref<1920xi32, #tpu.memory_space<vmem>>, vector<16xi32>,
        %gather3A_366 = arith.constant 0 : i32
        %gather3A_367 = arith.constant 0 : i32
        %gather3A_368 = tpu.memref_slice %arg6[%rem3A_35, %gather3A_366, %gather3A_367] : memref<8x48x256xf32, #tpu.memory_space<vmem>> -> memref<1x48x256xf32, #tpu.memory_space<vmem>>
        %gather3A_369 = tpu.memref_squeeze %gather3A_368 : memref<1x48x256xf32, #tpu.memory_space<vmem>> -> memref<48x256xf32, #tpu.memory_space<vmem>>
        %gather3A_370 = tpu.vector_load_idx %gather3A_369[%get3A_361, %get3A_365] : memref<48x256xf32, #tpu.memory_space<vmem>>[vector<16xi32>, vector<16xi32>], vector<16xf32>,
        %add3A_371 = arith.constant 1296 : i32
        %add3A_372 = arith.addi %add3A_371, %mul3A_357 : i32
        %get3A_373 = arith.index_cast %add3A_372 : i32 to index
        %get3A_374 = tpu.vector_load %arg5[%get3A_373] {strides = array<i32>} : memref<1920xi32, #tpu.memory_space<vmem>>, vector<16xi32>,
        %add3A_375 = vector.broadcast %mul3A_38 : i32 to vector<16xi32>
        %add3A_376 = arith.addi %get3A_374, %add3A_375 : vector<16xi32>
        tpu.vector_store_idx %arg7[%add3A_376], %gather3A_370 : memref<9216xf32, #tpu.memory_space<vmem>>[vector<16xi32>], vector<16xf32>,
        %scan3A_377 = arith.constant 0 : i32
        %scan3A_378 = arith.constant 6 : i32
        %scan3A_379 = arith.addi %scan3A_234, %scan3A_378 : i32
        %mul3A_380 = arith.constant 16 : i32
        %mul3A_381 = arith.muli %scan3A_379, %mul3A_380 : i32
        %add3A_382 = arith.constant 48 : i32
        %add3A_383 = arith.addi %add3A_382, %mul3A_381 : i32
        %get3A_384 = arith.index_cast %add3A_383 : i32 to index
        %get3A_385 = tpu.vector_load %arg5[%get3A_384] {strides = array<i32>} : memref<1920xi32, #tpu.memory_space<vmem>>, vector<16xi32>,
        %add3A_386 = arith.constant 672 : i32
        %add3A_387 = arith.addi %add3A_386, %mul3A_381 : i32
        %get3A_388 = arith.index_cast %add3A_387 : i32 to index
        %get3A_389 = tpu.vector_load %arg5[%get3A_388] {strides = array<i32>} : memref<1920xi32, #tpu.memory_space<vmem>>, vector<16xi32>,
        %gather3A_390 = arith.constant 0 : i32
        %gather3A_391 = arith.constant 0 : i32
        %gather3A_392 = tpu.memref_slice %arg6[%rem3A_35, %gather3A_390, %gather3A_391] : memref<8x48x256xf32, #tpu.memory_space<vmem>> -> memref<1x48x256xf32, #tpu.memory_space<vmem>>
        %gather3A_393 = tpu.memref_squeeze %gather3A_392 : memref<1x48x256xf32, #tpu.memory_space<vmem>> -> memref<48x256xf32, #tpu.memory_space<vmem>>
        %gather3A_394 = tpu.vector_load_idx %gather3A_393[%get3A_385, %get3A_389] : memref<48x256xf32, #tpu.memory_space<vmem>>[vector<16xi32>, vector<16xi32>], vector<16xf32>,
        %add3A_395 = arith.constant 1296 : i32
        %add3A_396 = arith.addi %add3A_395, %mul3A_381 : i32
        %get3A_397 = arith.index_cast %add3A_396 : i32 to index
        %get3A_398 = tpu.vector_load %arg5[%get3A_397] {strides = array<i32>} : memref<1920xi32, #tpu.memory_space<vmem>>, vector<16xi32>,
        %add3A_399 = vector.broadcast %mul3A_38 : i32 to vector<16xi32>
        %add3A_400 = arith.addi %get3A_398, %add3A_399 : vector<16xi32>
        tpu.vector_store_idx %arg7[%add3A_400], %gather3A_394 : memref<9216xf32, #tpu.memory_space<vmem>>[vector<16xi32>], vector<16xf32>,
        %scan3A_401 = arith.constant 0 : i32
        %scan3A_402 = arith.constant 7 : i32
        %scan3A_403 = arith.addi %scan3A_234, %scan3A_402 : i32
        %mul3A_404 = arith.constant 16 : i32
        %mul3A_405 = arith.muli %scan3A_403, %mul3A_404 : i32
        %add3A_406 = arith.constant 48 : i32
        %add3A_407 = arith.addi %add3A_406, %mul3A_405 : i32
        %get3A_408 = arith.index_cast %add3A_407 : i32 to index
        %get3A_409 = tpu.vector_load %arg5[%get3A_408] {strides = array<i32>} : memref<1920xi32, #tpu.memory_space<vmem>>, vector<16xi32>,
        %add3A_410 = arith.constant 672 : i32
        %add3A_411 = arith.addi %add3A_410, %mul3A_405 : i32
        %get3A_412 = arith.index_cast %add3A_411 : i32 to index
        %get3A_413 = tpu.vector_load %arg5[%get3A_412] {strides = array<i32>} : memref<1920xi32, #tpu.memory_space<vmem>>, vector<16xi32>,
        %gather3A_414 = arith.constant 0 : i32
        %gather3A_415 = arith.constant 0 : i32
        %gather3A_416 = tpu.memref_slice %arg6[%rem3A_35, %gather3A_414, %gather3A_415] : memref<8x48x256xf32, #tpu.memory_space<vmem>> -> memref<1x48x256xf32, #tpu.memory_space<vmem>>
        %gather3A_417 = tpu.memref_squeeze %gather3A_416 : memref<1x48x256xf32, #tpu.memory_space<vmem>> -> memref<48x256xf32, #tpu.memory_space<vmem>>
        %gather3A_418 = tpu.vector_load_idx %gather3A_417[%get3A_409, %get3A_413] : memref<48x256xf32, #tpu.memory_space<vmem>>[vector<16xi32>, vector<16xi32>], vector<16xf32>,
        %add3A_419 = arith.constant 1296 : i32
        %add3A_420 = arith.addi %add3A_419, %mul3A_405 : i32
        %get3A_421 = arith.index_cast %add3A_420 : i32 to index
        %get3A_422 = tpu.vector_load %arg5[%get3A_421] {strides = array<i32>} : memref<1920xi32, #tpu.memory_space<vmem>>, vector<16xi32>,
        %add3A_423 = vector.broadcast %mul3A_38 : i32 to vector<16xi32>
        %add3A_424 = arith.addi %get3A_422, %add3A_423 : vector<16xi32>
        tpu.vector_store_idx %arg7[%add3A_424], %gather3A_418 : memref<9216xf32, #tpu.memory_space<vmem>>[vector<16xi32>], vector<16xf32>,
        %scan3A_425 = arith.constant 0 : i32
        scf.yield %scan3A_425 : i32
      }
      %scan3A_61 = arith.constant 32 : i32
      %scan3A_62 = arith.addi %scan3A_56, %scan3A_61 : i32
      %mul3A_63 = arith.constant 16 : i32
      %mul3A_64 = arith.muli %scan3A_62, %mul3A_63 : i32
      %add3A_65 = arith.constant 48 : i32
      %add3A_66 = arith.addi %add3A_65, %mul3A_64 : i32
      %get3A = arith.index_cast %add3A_66 : i32 to index
      %get3A_67 = tpu.vector_load %arg5[%get3A] {strides = array<i32>} : memref<1920xi32, #tpu.memory_space<vmem>>, vector<16xi32>,
      %add3A_68 = arith.constant 672 : i32
      %add3A_69 = arith.addi %add3A_68, %mul3A_64 : i32
      %get3A_70 = arith.index_cast %add3A_69 : i32 to index
      %get3A_71 = tpu.vector_load %arg5[%get3A_70] {strides = array<i32>} : memref<1920xi32, #tpu.memory_space<vmem>>, vector<16xi32>,
      %gather3A = arith.constant 0 : i32
      %gather3A_72 = arith.constant 0 : i32
      %gather3A_73 = tpu.memref_slice %arg6[%rem3A_35, %gather3A, %gather3A_72] : memref<8x48x256xf32, #tpu.memory_space<vmem>> -> memref<1x48x256xf32, #tpu.memory_space<vmem>>
      %gather3A_74 = tpu.memref_squeeze %gather3A_73 : memref<1x48x256xf32, #tpu.memory_space<vmem>> -> memref<48x256xf32, #tpu.memory_space<vmem>>
      %gather3A_75 = tpu.vector_load_idx %gather3A_74[%get3A_67, %get3A_71] : memref<48x256xf32, #tpu.memory_space<vmem>>[vector<16xi32>, vector<16xi32>], vector<16xf32>,
      %add3A_76 = arith.constant 1296 : i32
      %add3A_77 = arith.addi %add3A_76, %mul3A_64 : i32
      %get3A_78 = arith.index_cast %add3A_77 : i32 to index
      %get3A_79 = tpu.vector_load %arg5[%get3A_78] {strides = array<i32>} : memref<1920xi32, #tpu.memory_space<vmem>>, vector<16xi32>,
      %add3A_80 = vector.broadcast %mul3A_38 : i32 to vector<16xi32>
      %add3A_81 = arith.addi %get3A_79, %add3A_80 : vector<16xi32>
      tpu.vector_store_idx %arg7[%add3A_81], %gather3A_75 : memref<9216xf32, #tpu.memory_space<vmem>>[vector<16xi32>], vector<16xf32>,
      %scan3A_82 = arith.constant 0 : i32
      %scan3A_83 = arith.constant 33 : i32
      %scan3A_84 = arith.addi %scan3A_56, %scan3A_83 : i32
      %mul3A_85 = arith.constant 16 : i32
      %mul3A_86 = arith.muli %scan3A_84, %mul3A_85 : i32
      %add3A_87 = arith.constant 48 : i32
      %add3A_88 = arith.addi %add3A_87, %mul3A_86 : i32
      %get3A_89 = arith.index_cast %add3A_88 : i32 to index
      %get3A_90 = tpu.vector_load %arg5[%get3A_89] {strides = array<i32>} : memref<1920xi32, #tpu.memory_space<vmem>>, vector<16xi32>,
      %add3A_91 = arith.constant 672 : i32
      %add3A_92 = arith.addi %add3A_91, %mul3A_86 : i32
      %get3A_93 = arith.index_cast %add3A_92 : i32 to index
      %get3A_94 = tpu.vector_load %arg5[%get3A_93] {strides = array<i32>} : memref<1920xi32, #tpu.memory_space<vmem>>, vector<16xi32>,
      %gather3A_95 = arith.constant 0 : i32
      %gather3A_96 = arith.constant 0 : i32
      %gather3A_97 = tpu.memref_slice %arg6[%rem3A_35, %gather3A_95, %gather3A_96] : memref<8x48x256xf32, #tpu.memory_space<vmem>> -> memref<1x48x256xf32, #tpu.memory_space<vmem>>
      %gather3A_98 = tpu.memref_squeeze %gather3A_97 : memref<1x48x256xf32, #tpu.memory_space<vmem>> -> memref<48x256xf32, #tpu.memory_space<vmem>>
      %gather3A_99 = tpu.vector_load_idx %gather3A_98[%get3A_90, %get3A_94] : memref<48x256xf32, #tpu.memory_space<vmem>>[vector<16xi32>, vector<16xi32>], vector<16xf32>,
      %add3A_100 = arith.constant 1296 : i32
      %add3A_101 = arith.addi %add3A_100, %mul3A_86 : i32
      %get3A_102 = arith.index_cast %add3A_101 : i32 to index
      %get3A_103 = tpu.vector_load %arg5[%get3A_102] {strides = array<i32>} : memref<1920xi32, #tpu.memory_space<vmem>>, vector<16xi32>,
      %add3A_104 = vector.broadcast %mul3A_38 : i32 to vector<16xi32>
      %add3A_105 = arith.addi %get3A_103, %add3A_104 : vector<16xi32>
      tpu.vector_store_idx %arg7[%add3A_105], %gather3A_99 : memref<9216xf32, #tpu.memory_space<vmem>>[vector<16xi32>], vector<16xf32>,
      %scan3A_106 = arith.constant 0 : i32
      %scan3A_107 = arith.constant 34 : i32
      %scan3A_108 = arith.addi %scan3A_56, %scan3A_107 : i32
      %mul3A_109 = arith.constant 16 : i32
      %mul3A_110 = arith.muli %scan3A_108, %mul3A_109 : i32
      %add3A_111 = arith.constant 48 : i32
      %add3A_112 = arith.addi %add3A_111, %mul3A_110 : i32
      %get3A_113 = arith.index_cast %add3A_112 : i32 to index
      %get3A_114 = tpu.vector_load %arg5[%get3A_113] {strides = array<i32>} : memref<1920xi32, #tpu.memory_space<vmem>>, vector<16xi32>,
      %add3A_115 = arith.constant 672 : i32
      %add3A_116 = arith.addi %add3A_115, %mul3A_110 : i32
      %get3A_117 = arith.index_cast %add3A_116 : i32 to index
      %get3A_118 = tpu.vector_load %arg5[%get3A_117] {strides = array<i32>} : memref<1920xi32, #tpu.memory_space<vmem>>, vector<16xi32>,
      %gather3A_119 = arith.constant 0 : i32
      %gather3A_120 = arith.constant 0 : i32
      %gather3A_121 = tpu.memref_slice %arg6[%rem3A_35, %gather3A_119, %gather3A_120] : memref<8x48x256xf32, #tpu.memory_space<vmem>> -> memref<1x48x256xf32, #tpu.memory_space<vmem>>
      %gather3A_122 = tpu.memref_squeeze %gather3A_121 : memref<1x48x256xf32, #tpu.memory_space<vmem>> -> memref<48x256xf32, #tpu.memory_space<vmem>>
      %gather3A_123 = tpu.vector_load_idx %gather3A_122[%get3A_114, %get3A_118] : memref<48x256xf32, #tpu.memory_space<vmem>>[vector<16xi32>, vector<16xi32>], vector<16xf32>,
      %add3A_124 = arith.constant 1296 : i32
      %add3A_125 = arith.addi %add3A_124, %mul3A_110 : i32
      %get3A_126 = arith.index_cast %add3A_125 : i32 to index
      %get3A_127 = tpu.vector_load %arg5[%get3A_126] {strides = array<i32>} : memref<1920xi32, #tpu.memory_space<vmem>>, vector<16xi32>,
      %add3A_128 = vector.broadcast %mul3A_38 : i32 to vector<16xi32>
      %add3A_129 = arith.addi %get3A_127, %add3A_128 : vector<16xi32>
      tpu.vector_store_idx %arg7[%add3A_129], %gather3A_123 : memref<9216xf32, #tpu.memory_space<vmem>>[vector<16xi32>], vector<16xf32>,
      %scan3A_130 = arith.constant 0 : i32
      %scan3A_131 = arith.constant 35 : i32
      %scan3A_132 = arith.addi %scan3A_56, %scan3A_131 : i32
      %mul3A_133 = arith.constant 16 : i32
      %mul3A_134 = arith.muli %scan3A_132, %mul3A_133 : i32
      %add3A_135 = arith.constant 48 : i32
      %add3A_136 = arith.addi %add3A_135, %mul3A_134 : i32
      %get3A_137 = arith.index_cast %add3A_136 : i32 to index
      %get3A_138 = tpu.vector_load %arg5[%get3A_137] {strides = array<i32>} : memref<1920xi32, #tpu.memory_space<vmem>>, vector<16xi32>,
      %add3A_139 = arith.constant 672 : i32
      %add3A_140 = arith.addi %add3A_139, %mul3A_134 : i32
      %get3A_141 = arith.index_cast %add3A_140 : i32 to index
      %get3A_142 = tpu.vector_load %arg5[%get3A_141] {strides = array<i32>} : memref<1920xi32, #tpu.memory_space<vmem>>, vector<16xi32>,
      %gather3A_143 = arith.constant 0 : i32
      %gather3A_144 = arith.constant 0 : i32
      %gather3A_145 = tpu.memref_slice %arg6[%rem3A_35, %gather3A_143, %gather3A_144] : memref<8x48x256xf32, #tpu.memory_space<vmem>> -> memref<1x48x256xf32, #tpu.memory_space<vmem>>
      %gather3A_146 = tpu.memref_squeeze %gather3A_145 : memref<1x48x256xf32, #tpu.memory_space<vmem>> -> memref<48x256xf32, #tpu.memory_space<vmem>>
      %gather3A_147 = tpu.vector_load_idx %gather3A_146[%get3A_138, %get3A_142] : memref<48x256xf32, #tpu.memory_space<vmem>>[vector<16xi32>, vector<16xi32>], vector<16xf32>,
      %add3A_148 = arith.constant 1296 : i32
      %add3A_149 = arith.addi %add3A_148, %mul3A_134 : i32
      %get3A_150 = arith.index_cast %add3A_149 : i32 to index
      %get3A_151 = tpu.vector_load %arg5[%get3A_150] {strides = array<i32>} : memref<1920xi32, #tpu.memory_space<vmem>>, vector<16xi32>,
      %add3A_152 = vector.broadcast %mul3A_38 : i32 to vector<16xi32>
      %add3A_153 = arith.addi %get3A_151, %add3A_152 : vector<16xi32>
      tpu.vector_store_idx %arg7[%add3A_153], %gather3A_147 : memref<9216xf32, #tpu.memory_space<vmem>>[vector<16xi32>], vector<16xf32>,
      %scan3A_154 = arith.constant 0 : i32
      %scan3A_155 = arith.constant 36 : i32
      %scan3A_156 = arith.addi %scan3A_56, %scan3A_155 : i32
      %mul3A_157 = arith.constant 16 : i32
      %mul3A_158 = arith.muli %scan3A_156, %mul3A_157 : i32
      %add3A_159 = arith.constant 48 : i32
      %add3A_160 = arith.addi %add3A_159, %mul3A_158 : i32
      %get3A_161 = arith.index_cast %add3A_160 : i32 to index
      %get3A_162 = tpu.vector_load %arg5[%get3A_161] {strides = array<i32>} : memref<1920xi32, #tpu.memory_space<vmem>>, vector<16xi32>,
      %add3A_163 = arith.constant 672 : i32
      %add3A_164 = arith.addi %add3A_163, %mul3A_158 : i32
      %get3A_165 = arith.index_cast %add3A_164 : i32 to index
      %get3A_166 = tpu.vector_load %arg5[%get3A_165] {strides = array<i32>} : memref<1920xi32, #tpu.memory_space<vmem>>, vector<16xi32>,
      %gather3A_167 = arith.constant 0 : i32
      %gather3A_168 = arith.constant 0 : i32
      %gather3A_169 = tpu.memref_slice %arg6[%rem3A_35, %gather3A_167, %gather3A_168] : memref<8x48x256xf32, #tpu.memory_space<vmem>> -> memref<1x48x256xf32, #tpu.memory_space<vmem>>
      %gather3A_170 = tpu.memref_squeeze %gather3A_169 : memref<1x48x256xf32, #tpu.memory_space<vmem>> -> memref<48x256xf32, #tpu.memory_space<vmem>>
      %gather3A_171 = tpu.vector_load_idx %gather3A_170[%get3A_162, %get3A_166] : memref<48x256xf32, #tpu.memory_space<vmem>>[vector<16xi32>, vector<16xi32>], vector<16xf32>,
      %add3A_172 = arith.constant 1296 : i32
      %add3A_173 = arith.addi %add3A_172, %mul3A_158 : i32
      %get3A_174 = arith.index_cast %add3A_173 : i32 to index
      %get3A_175 = tpu.vector_load %arg5[%get3A_174] {strides = array<i32>} : memref<1920xi32, #tpu.memory_space<vmem>>, vector<16xi32>,
      %add3A_176 = vector.broadcast %mul3A_38 : i32 to vector<16xi32>
      %add3A_177 = arith.addi %get3A_175, %add3A_176 : vector<16xi32>
      tpu.vector_store_idx %arg7[%add3A_177], %gather3A_171 : memref<9216xf32, #tpu.memory_space<vmem>>[vector<16xi32>], vector<16xf32>,
      %scan3A_178 = arith.constant 0 : i32
      %scan3A_179 = arith.constant 37 : i32
      %scan3A_180 = arith.addi %scan3A_56, %scan3A_179 : i32
      %mul3A_181 = arith.constant 16 : i32
      %mul3A_182 = arith.muli %scan3A_180, %mul3A_181 : i32
      %add3A_183 = arith.constant 48 : i32
      %add3A_184 = arith.addi %add3A_183, %mul3A_182 : i32
      %get3A_185 = arith.index_cast %add3A_184 : i32 to index
      %get3A_186 = tpu.vector_load %arg5[%get3A_185] {strides = array<i32>} : memref<1920xi32, #tpu.memory_space<vmem>>, vector<16xi32>,
      %add3A_187 = arith.constant 672 : i32
      %add3A_188 = arith.addi %add3A_187, %mul3A_182 : i32
      %get3A_189 = arith.index_cast %add3A_188 : i32 to index
      %get3A_190 = tpu.vector_load %arg5[%get3A_189] {strides = array<i32>} : memref<1920xi32, #tpu.memory_space<vmem>>, vector<16xi32>,
      %gather3A_191 = arith.constant 0 : i32
      %gather3A_192 = arith.constant 0 : i32
      %gather3A_193 = tpu.memref_slice %arg6[%rem3A_35, %gather3A_191, %gather3A_192] : memref<8x48x256xf32, #tpu.memory_space<vmem>> -> memref<1x48x256xf32, #tpu.memory_space<vmem>>
      %gather3A_194 = tpu.memref_squeeze %gather3A_193 : memref<1x48x256xf32, #tpu.memory_space<vmem>> -> memref<48x256xf32, #tpu.memory_space<vmem>>
      %gather3A_195 = tpu.vector_load_idx %gather3A_194[%get3A_186, %get3A_190] : memref<48x256xf32, #tpu.memory_space<vmem>>[vector<16xi32>, vector<16xi32>], vector<16xf32>,
      %add3A_196 = arith.constant 1296 : i32
      %add3A_197 = arith.addi %add3A_196, %mul3A_182 : i32
      %get3A_198 = arith.index_cast %add3A_197 : i32 to index
      %get3A_199 = tpu.vector_load %arg5[%get3A_198] {strides = array<i32>} : memref<1920xi32, #tpu.memory_space<vmem>>, vector<16xi32>,
      %add3A_200 = vector.broadcast %mul3A_38 : i32 to vector<16xi32>
      %add3A_201 = arith.addi %get3A_199, %add3A_200 : vector<16xi32>
      tpu.vector_store_idx %arg7[%add3A_201], %gather3A_195 : memref<9216xf32, #tpu.memory_space<vmem>>[vector<16xi32>], vector<16xf32>,
      %scan3A_202 = arith.constant 0 : i32
      %scan3A_203 = arith.constant 38 : i32
      %get3A_204 = arith.constant 656 : index
      %get3A_205 = tpu.vector_load %arg5[%get3A_204] {strides = array<i32>} : memref<1920xi32, #tpu.memory_space<vmem>>, vector<16xi32>,
      %get3A_206 = arith.constant 1280 : index
      %get3A_207 = tpu.vector_load %arg5[%get3A_206] {strides = array<i32>} : memref<1920xi32, #tpu.memory_space<vmem>>, vector<16xi32>,
      %gather3A_208 = arith.constant 0 : i32
      %gather3A_209 = arith.constant 0 : i32
      %gather3A_210 = tpu.memref_slice %arg6[%rem3A_35, %gather3A_208, %gather3A_209] : memref<8x48x256xf32, #tpu.memory_space<vmem>> -> memref<1x48x256xf32, #tpu.memory_space<vmem>>
      %gather3A_211 = tpu.memref_squeeze %gather3A_210 : memref<1x48x256xf32, #tpu.memory_space<vmem>> -> memref<48x256xf32, #tpu.memory_space<vmem>>
      %gather3A_212 = tpu.vector_load_idx %gather3A_211[%get3A_205, %get3A_207] : memref<48x256xf32, #tpu.memory_space<vmem>>[vector<16xi32>, vector<16xi32>], vector<16xf32>,
      %get3A_213 = arith.constant 1904 : index
      %get3A_214 = tpu.vector_load %arg5[%get3A_213] {strides = array<i32>} : memref<1920xi32, #tpu.memory_space<vmem>>, vector<16xi32>,
      %add3A_215 = vector.broadcast %mul3A_38 : i32 to vector<16xi32>
      %add3A_216 = arith.addi %get3A_214, %add3A_215 : vector<16xi32>
      tpu.vector_store_idx %arg7[%add3A_216], %gather3A_212 masked %lt3A_18 : memref<9216xf32, #tpu.memory_space<vmem>>[vector<16xi32>], vector<16xf32>, vector<16xi1>
      %mul3A_217 = arith.constant 1152 : i32
      %mul3A_218 = arith.muli %rem3A_35, %mul3A_217 : i32
      %dma_start3A = tpu.memref_slice %arg7[%mul3A_218] : memref<9216xf32, #tpu.memory_space<vmem>> -> memref<1152xf32, #tpu.memory_space<vmem>>
      %dma_start3A_219 = arith.constant 0 : i32
      %dma_start3A_220 = tpu.memref_slice %arg4[%add3A_36, %dma_start3A_219] : memref<1024x1152xf32, #tpu.memory_space<hbm>> -> memref<1x1152xf32, #tpu.memory_space<hbm>>
      %dma_start3A_221 = tpu.memref_squeeze %dma_start3A_220 : memref<1x1152xf32, #tpu.memory_space<hbm>> -> memref<1152xf32, #tpu.memory_space<hbm>>
      %dma_start3A_222 = tpu.memref_slice %arg9[%rem3A_35] : memref<8x!tpu.dma_semaphore, #tpu.memory_space<semaphore_mem>> -> memref<1x!tpu.dma_semaphore, #tpu.memory_space<semaphore_mem>>
      %dma_start3A_223 = tpu.memref_squeeze %dma_start3A_222 : memref<1x!tpu.dma_semaphore, #tpu.memory_space<semaphore_mem>> -> memref<!tpu.dma_semaphore, #tpu.memory_space<semaphore_mem>>
      %dma_start3A_224 = arith.constant 0 : i32
      %dma_start3A_225 = tpu.memref_slice %arg4[%add3A_36, %dma_start3A_224] : memref<1024x1152xf32, #tpu.memory_space<hbm>> -> memref<1x1152xf32, #tpu.memory_space<hbm>>
      %dma_start3A_226 = tpu.memref_squeeze %dma_start3A_225 : memref<1x1152xf32, #tpu.memory_space<hbm>> -> memref<1152xf32, #tpu.memory_space<hbm>>
      %dma_start3A_227 = tpu.memref_slice %arg7[%mul3A_218] : memref<9216xf32, #tpu.memory_space<vmem>> -> memref<1152xf32, #tpu.memory_space<vmem>>
      tpu.enqueue_dma source(%dma_start3A_227 : memref<1152xf32, #tpu.memory_space<vmem>>) target(%dma_start3A_226 : memref<1152xf32, #tpu.memory_space<hbm>>) target_semaphore(%dma_start3A_223 : memref<!tpu.dma_semaphore, #tpu.memory_space<semaphore_mem>>)
      %lt3A_228 = arith.constant 24 : i32
      %lt3A_229 = arith.cmpi slt, %scan3A_33, %lt3A_228 : i32
      %convert_element_type3A_230 = arith.extui %lt3A_229 : i1 to i32
      %cond3A_231 = arith.constant 0 : i32
      %cond3A_232 = arith.cmpi ne, %convert_element_type3A_230, %cond3A_231 : i32
      scf.if %cond3A_232 {
        %add3A_234 = arith.constant 8 : i32
        %add3A_235 = arith.addi %add3A_36, %add3A_234 : i32
        %dma_start3A_236 = arith.constant 0 : i32
        %dma_start3A_237 = arith.constant 0 : i32
        %dma_start3A_238 = tpu.memref_slice %arg6[%rem3A_35, %dma_start3A_236, %dma_start3A_237] : memref<8x48x256xf32, #tpu.memory_space<vmem>> -> memref<1x48x256xf32, #tpu.memory_space<vmem>>
        %dma_start3A_239 = tpu.memref_squeeze %dma_start3A_238 : memref<1x48x256xf32, #tpu.memory_space<vmem>> -> memref<48x256xf32, #tpu.memory_space<vmem>>
        %dma_start3A_240 = arith.constant 0 : i32
        %dma_start3A_241 = tpu.memref_slice %arg5[%dma_start3A_240] : memref<1920xi32, #tpu.memory_space<vmem>> -> memref<48xi32, #tpu.memory_space<vmem>>
        %dma_start3A_242 = arith.constant 0 : i32
        %dma_start3A_243 = arith.constant 0 : i32
        %dma_start3A_244 = tpu.memref_slice %arg2[%add3A_235, %dma_start3A_242, %dma_start3A_243] : memref<1024x256x256xf32, #tpu.memory_space<hbm>> -> memref<1x256x256xf32, #tpu.memory_space<hbm>>
        %dma_start3A_245 = tpu.memref_squeeze %dma_start3A_244 : memref<1x256x256xf32, #tpu.memory_space<hbm>> -> memref<256x256xf32, #tpu.memory_space<hbm>>
        %dma_start3A_246 = arith.constant 0 : i32
        %dma_start3A_247 = arith.constant 0 : i32
        %dma_start3A_248 = tpu.memref_slice %dma_start3A_245[%dma_start3A_246, %dma_start3A_247] : memref<256x256xf32, #tpu.memory_space<hbm>> -> memref<256x256xf32, #tpu.memory_space<hbm>>
        %dma_start3A_249 = tpu.memref_slice %arg8[%rem3A_35] : memref<8x!tpu.dma_semaphore, #tpu.memory_space<semaphore_mem>> -> memref<1x!tpu.dma_semaphore, #tpu.memory_space<semaphore_mem>>
        %dma_start3A_250 = tpu.memref_squeeze %dma_start3A_249 : memref<1x!tpu.dma_semaphore, #tpu.memory_space<semaphore_mem>> -> memref<!tpu.dma_semaphore, #tpu.memory_space<semaphore_mem>>
        tpu.enqueue_indirect_dma source(%dma_start3A_248 : memref<256x256xf32, #tpu.memory_space<hbm>>) target(%dma_start3A_239 : memref<48x256xf32, #tpu.memory_space<vmem>>) offsets(%dma_start3A_241 : memref<48xi32, #tpu.memory_space<vmem>>) semaphore(%dma_start3A_250 : memref<!tpu.dma_semaphore, #tpu.memory_space<semaphore_mem>>)
      } else {
      }
      %scan3A_233 = arith.constant 0 : i32
      scf.yield %scan3A_233 : i32
    }
    %scan3A_25 = arith.constant 32 : i32
    %scan3A_26 = arith.constant 0 : i32
    %scan3A_27 = arith.constant 0 : i32
    %scan3A_28 = arith.constant 8 : i32
    %scan3A_29 = arith.addi %scan3A_27, %scan3A_28 : i32
    %scan3A_30 = arith.constant 1 : i32
    %scan3A_31 = scf.for %scan3A_33 = %scan3A_27 to %scan3A_29 step %scan3A_30 iter_args(%scan3A_34 = %scan3A_26) -> (i32)  : i32 {
      %mul3A_35 = arith.constant 1152 : i32
      %mul3A_36 = arith.muli %scan3A_33, %mul3A_35 : i32
      %dma_wait3A = tpu.memref_slice %arg7[%mul3A_36] : memref<9216xf32, #tpu.memory_space<vmem>> -> memref<1152xf32, #tpu.memory_space<vmem>>
      %dma_wait3A_37 = arith.constant 0 : i32
      %dma_wait3A_38 = tpu.memref_slice %arg4[%mul3A_2, %dma_wait3A_37] : memref<1024x1152xf32, #tpu.memory_space<hbm>> -> memref<1x1152xf32, #tpu.memory_space<hbm>>
      %dma_wait3A_39 = tpu.memref_squeeze %dma_wait3A_38 : memref<1x1152xf32, #tpu.memory_space<hbm>> -> memref<1152xf32, #tpu.memory_space<hbm>>
      %dma_wait3A_40 = tpu.memref_slice %arg9[%scan3A_33] : memref<8x!tpu.dma_semaphore, #tpu.memory_space<semaphore_mem>> -> memref<1x!tpu.dma_semaphore, #tpu.memory_space<semaphore_mem>>
      %dma_wait3A_41 = tpu.memref_squeeze %dma_wait3A_40 : memref<1x!tpu.dma_semaphore, #tpu.memory_space<semaphore_mem>> -> memref<!tpu.dma_semaphore, #tpu.memory_space<semaphore_mem>>
      %dma_wait3A_42 = arith.constant 0 : i32
      %dma_wait3A_43 = tpu.memref_slice %arg4[%mul3A_2, %dma_wait3A_42] : memref<1024x1152xf32, #tpu.memory_space<hbm>> -> memref<1x1152xf32, #tpu.memory_space<hbm>>
      %dma_wait3A_44 = tpu.memref_squeeze %dma_wait3A_43 : memref<1x1152xf32, #tpu.memory_space<hbm>> -> memref<1152xf32, #tpu.memory_space<hbm>>
      %dma_wait3A_45 = tpu.memref_slice %arg7[%mul3A_36] : memref<9216xf32, #tpu.memory_space<vmem>> -> memref<1152xf32, #tpu.memory_space<vmem>>
      tpu.wait_dma2 semaphore(%dma_wait3A_41 : memref<!tpu.dma_semaphore, #tpu.memory_space<semaphore_mem>>) src(%dma_wait3A_45 : memref<1152xf32, #tpu.memory_space<vmem>>) dst(%dma_wait3A_44 : memref<1152xf32, #tpu.memory_space<hbm>>)
      %scan3A_46 = arith.constant 0 : i32
      scf.yield %scan3A_46 : i32
    }
    %scan3A_32 = arith.constant 8 : i32
    return
  }
}

</mosaic_0001>

<sc_bundles>
// kernel: kernel.3.cloned.1.call-start
scs
__scs_entry_jumppad:
0x0: {  	(pc) =	sbr.rel $0x88, $3  }
0x1: {  	(tag) =	ssettag $0x0;
	lr =	simm.s32 $0x1  }
0x2: {  	[smem:$0x3FA0] =	sst lr;
	_ =	strace $0xD0000000  }
0x3: {  	_ = 	snop  }
0x4: {  	_ = 	snop  }
0x5: {  	_ = 	snop  }
0x6: {  	_ = 	snop  }
0x7: {  	_ = 	snop  }
__scs_overlays_trampoline_lowered:
0x8: {  	[smem:$0x3FAF] =	sst s0  }
0x9: {  	[smem:$0x3FB0] =	sst s1  }
0xa: {  	[smem:$0x3FB1] =	sst s2  }
0xb: {  	[smem:$0x3FB2] =	sst s3  }
0xc: {  	[smem:$0x3FB3] =	sst s4  }
0xd: {  	[smem:$0x3FB4] =	sst s5  }
0xe: {  	[smem:$0x3FB5] =	sst s6  }
0xf: {  	[smem:$0x3FB6] =	sst s7  }
0x10: {  	[smem:$0x3FB7] =	sst s8  }
0x11: {  	[smem:$0x3FB8] =	sst s9;
	s0 =	simm.s32 @!p0 $0x0  }
0x12: {  	s1 =	sld [smem:$0x3F9E];
	s0 =	simm.s32 @p0 $0x1  }
0x13: {  	[smem:$0x3FB9] =	sst s0;
	s0 =	simm.s32 @!p1 $0x0  }
0x14: {  	s2 =	sld [smem:$0x3F9D];
	s0 =	simm.s32 @p1 $0x1  }
0x15: {  	[smem:$0x3FBA] =	sst s0;
	s0 =	simm.s32 @!p2 $0x0  }
0x16: {  	s3 =	sld [smem:$0x3FDB];
	s0 =	simm.s32 @p2 $0x1  }
0x17: {  	s4 =	simm.s32 $0x1BF5;
	[smem:$0x3FBC] =	sst s0  }
0x18: {  	s0 =	sld [smem:$0x3F9F];
	_ =	swait.ge [sflag:s4], $0x0  }
0x19: {  	s7 =	sld [smem:$0x3FA0]  }
0x1a: {  	s8 =	sadd.s32 $0xFFFFE003, lr  }
0x1b: {  	s9 =	sadd.s32 $0xFFFFFEF7, lr;
	s5 =	simm.s32 $0xFFFFFFFF;
	p2 =	slt.u32 s8, $0xFFFFF086  }
0x1c: {  	p1 =	slt.u32 s9, $0xF7A;
	s5 =	simm.s32 @!p2 $0x0  }
0x1d: {  	s5 =	simm.s32 @p1 $0x1;
	p0 =	seq.s32 s7, s2  }
0x1e: {  	s7 =	smul.u32 @!p0 $0xF7A, s2;
	p2 =	seq.s32 @!p0 s5, $0x0  }
0x1f: {  	s9 =	smul.u32 $0xF7A, s1;
	s8 =	simm.s32 @!p0 $0x1BF5;
	p2 =	por !p2, p0  }
0x20: {  	[sflag:s8] =	ssyncset.s32 @!p0 $0xFFFFF086;
	s6 =	sadd.s32 @!p0 s3, s7;
	s7 =	simm.s32 @!p0 $0x108  }
0x21: {  	s3 =	sadd.s32 s3, s9;
	s6 =	sadd.s32 @!p0 $0x88, s6;
	s7 =	simm.s32 @p2 $0x1082  }
0x22: {  	[simem:s7], [sflag:s8] =	dma.local @!p0 [hbm:s6], $0xF7A  }
0x23: {  	s9 =	sor.u32 $0xD0000000, s2;
	s6 =	simm.s32 $0x108;
	_ =	swait.ge @!p0 [sflag:s8], $0x0  }
0x24: {  	s3 =	sadd.s32 $0x88, s3;
	s6 =	simm.s32 @!p1 $0x1082;
	[sflag:s4] =	ssyncset.s32 $0xFFFFF086  }
0x25: {  	[simem:s6], [sflag:s4] =	dma.local [hbm:s3], $0xF7A  }
0x26: {  	[smem:$0x3FA0] =	sst s1;
	(tag) =	ssettag s2;
	_ =	strace s9  }
0x27: {  	s1 =	sld [smem:$0x3FB0]  }
0x28: {  	s2 =	sld [smem:$0x3FB1]  }
0x29: {  	s4 =	sld [smem:$0x3FB3]  }
0x2a: {  	p0 =	seq.s32 s5, $0x0;
	s5 =	sld [smem:$0x3FB4]  }
0x2b: {  	s6 =	sld [smem:$0x3FB5]  }
0x2c: {  	s7 =	sld [smem:$0x3FB6]  }
0x2d: {  	s3 =	simm.s32 $0x108;
	s8 =	sld [smem:$0x3FB7]  }
0x2e: {  	s3 =	simm.s32 @!p0 $0x1082;
	s9 =	sld [smem:$0x3FB8]  }
0x2f: {  	lr =	sadd.s32 s0, s3;
	s0 =	sld [smem:$0x3FAF]  }
0x30: {  	s3 =	sld [smem:$0x3FB2]  }
0x31: {  	[smem:$0x3FBB] =	sst s10  }
0x32: {  	s10 =	sld [smem:$0x3FB9];
	_ =	sdelay $0x3  }
0x33: {  	p0 =	seq.s32 s10, $0x1;
	s10 =	sld [smem:$0x3FBB];
	_ =	sdelay $0x3  }
0x34: {  	[smem:$0x3FBB] =	sst s10  }
0x35: {  	s10 =	sld [smem:$0x3FBA];
	_ =	sdelay $0x3  }
0x36: {  	p1 =	seq.s32 s10, $0x1;
	s10 =	sld [smem:$0x3FBB];
	_ =	sdelay $0x3  }
0x37: {  	[smem:$0x3FBB] =	sst s10  }
0x38: {  	s10 =	sld [smem:$0x3FBC]  }
0x39: {  	_ = 	snop;
	(pc) =	sbr.ind lr, $3  }
0x3a: {  	_ = 	snop  }
0x3b: {  	_ = 	snop  }
0x3c: {  	p2 =	seq.s32 s10, $0x1;
	s10 =	sld [smem:$0x3FBB]  }
0x3d: {  	_ =	shalt  }
0x3e: {  	_ =	shalt  }
0x3f: {  	_ =	shalt  }
0x40: {  	_ =	shalt  }
0x41: {  	_ =	shalt  }
0x42: {  	_ =	shalt  }
0x43: {  	_ =	shalt  }
0x44: {  	_ =	shalt  }
0x45: {  	_ =	shalt  }
0x46: {  	_ =	shalt  }
0x47: {  	_ =	shalt  }
0x48: {  	_ =	shalt  }
0x49: {  	_ =	shalt  }
0x4a: {  	_ =	shalt  }
0x4b: {  	_ =	shalt  }
0x4c: {  	_ =	shalt  }
0x4d: {  	_ =	shalt  }
0x4e: {  	_ =	shalt  }
0x4f: {  	_ =	shalt  }
0x50: {  	_ =	shalt  }
0x51: {  	_ =	shalt  }
0x52: {  	_ =	shalt  }
0x53: {  	_ =	shalt  }
0x54: {  	_ =	shalt  }
0x55: {  	_ =	shalt  }
0x56: {  	_ =	shalt  }
0x57: {  	_ =	shalt  }
0x58: {  	_ =	shalt  }
0x59: {  	_ =	shalt  }
0x5a: {  	_ =	shalt  }
0x5b: {  	_ =	shalt  }
0x5c: {  	_ =	shalt  }
0x5d: {  	_ =	shalt  }
0x5e: {  	_ =	shalt  }
0x5f: {  	_ =	shalt  }
0x60: {  	_ =	shalt  }
0x61: {  	_ =	shalt  }
0x62: {  	_ =	shalt  }
0x63: {  	_ =	shalt  }
0x64: {  	_ =	shalt  }
0x65: {  	_ =	shalt  }
0x66: {  	_ =	shalt  }
0x67: {  	_ =	shalt  }
0x68: {  	_ =	shalt  }
0x69: {  	_ =	shalt  }
0x6a: {  	_ =	shalt  }
0x6b: {  	_ =	shalt  }
0x6c: {  	_ =	shalt  }
0x6d: {  	_ =	shalt  }
0x6e: {  	_ =	shalt  }
0x6f: {  	_ =	shalt  }
0x70: {  	_ =	shalt  }
0x71: {  	_ =	shalt  }
0x72: {  	_ =	shalt  }
0x73: {  	_ =	shalt  }
0x74: {  	_ =	shalt  }
0x75: {  	_ =	shalt  }
0x76: {  	_ =	shalt  }
0x77: {  	_ =	shalt  }
0x78: {  	_ =	shalt  }
0x79: {  	_ =	shalt  }
0x7a: {  	_ =	shalt  }
0x7b: {  	_ =	shalt  }
0x7c: {  	_ =	shalt  }
0x7d: {  	_ =	shalt  }
0x7e: {  	_ =	shalt  }
0x7f: {  	_ =	shalt  }
0x80: {  	_ =	shalt  }
0x81: {  	_ =	shalt  }
0x82: {  	_ =	shalt  }
0x83: {  	_ =	shalt  }
0x84: {  	_ =	shalt  }
0x85: {  	_ =	shalt  }
0x86: {  	_ =	shalt  }
0x87: {  	_ =	shalt  }
.Lfunc_end0:
.L_simem_size_0:
called_computation_lowered:
.L_overlay_start_0:
0x88: {  	s2 =	sld [smem:$0x3FD9]  }
0x89: {  	s3 =	sld [smem:$0x3FFE];
	_ =	sdelay $0x1  }
0x8a: {  	s1 =	srdreg.scid  }
0x8b: {  	s0 =	sand.u32 $0x1, s1  }
0x8c: {  	s17 =	sshll.u32 s0, $0xA;
	s2 =	sadd.s32 s3, s2  }
0x8d: {  	s2 =	sadd.s32 s2, s17  }
0x8e: {  	[smem:$0x3FC7] =	sst s2  }
0x8f: {  	_ = 	snop  }
0x90: {  	s2 =	sld [smem:$0x3FC9]  }
0x91: {  	s18 =	sld [smem:$0x3FD0];
	(tm) =	ssettm $0x1  }
0x92: {  	s4 =	sld [smem:$0x3FFB];
	_ =	sdelay $0x3  }
0x93: {  	_ =	strace s4  }
0x94: {  	s4 =	sld [smem:$0x3FFC];
	_ =	sdelay $0x3  }
0x95: {  	_ =	strace s4  }
0x96: {  	s4 =	sld [smem:$0x3FFD];
	_ =	sdelay $0x3  }
0x97: {  	_ =	strace s4  }
0x98: {  	_ =	strace $0x8FFFFFFF  }
0x99: {  	s19 =	sld [smem:$0x3FDB];
	_ =	sdelay $0x1  }
0x9a: {  	s5 =	simm.s32 $_scs_section_size  }
0x9b: {  	s6 =	simm.s32 $_size__tile_overlayer_lowered;
	s7 =	simm.s32 $_tile_overlayer_lowered  }
0x9c: {  	s22 =	simm.s32 $0x1BFF;
	s21 =	sshll.u32 s7, $0x1;
	s4 =	sadd.s32 s5, s19  }
0x9d: {  	s8 =	simm.s32 $0x0;
	s20 =	sshll.u32 s6, $0x1;
	s6 =	sadd.s32 s21, s4  }
0x9e: {  	[timem:s8], [sflag:s22] =	dma.local [hbm:s6], s20  }
0x9f: {  	_ =	swait.ge [sflag:s22], s20  }
0xa0: {  	s5 =	ssub.s32 $0x0, s20;
	[sflag:s22] =	ssyncset.done $0x0  }
0xa1: {  	[sflag:s22] =	ssyncadd.s32 s5;
	_ =	sdelay $0x1  }
0xa2: {  	s23 =	simm.s32 $0x1B8B  }
0xa3: {  	_ =	swait.ge [sflag:s23], $0x1  }
0xa4: {  	[sflag:s23] =	ssyncset.done $0x0  }
0xa5: {  	s25 =	simm.s32 $0x1B8E;
	s24 =	sld [smem:$0x3FFE];
	[sflag:s23] =	ssyncadd.s32 $0xFFFFFFFF  }
0xa6: {  	s26 =	simm.s32 $execute0_lowered;
	[smem:$0x3FD2] =	sst s25  }
0xa7: {  	s6 =	sshll.u32 s26, $0x1;
	_ =	strace $0x80000046;
	[dreg:$0x1] =	wrdreg $0xFFFFFFFF  }
0xa8: {  	s28 =	simm.s32 $_size_execute0_lowered;
	s4 =	sadd.s32 s4, s6;
	[dreg:$0x0] =	wrdreg $0x0  }
0xa9: {  	s6 =	sshll.u32 s28, $0x1;
	[dreg:$0x2] =	wrdreg s4  }
0xaa: {  	[dreg:$0x3] =	wrdreg s6  }
0xab: {  	[dreg:$0x4] =	wrdreg $0xC0  }
0xac: {  	_ =	task [dreg:s8], $0x5FFFF  }
0xad: {  	[dreg:$0x1] =	wrdreg $0xFFFFFFFF  }
0xae: {  	[dreg:$0x0] =	wrdreg $0x60  }
0xaf: {  	[dreg:$0x2] =	wrdreg s2  }
0xb0: {  	[dreg:$0x3] =	wrdreg s18  }
0xb1: {  	[dreg:$0x4] =	wrdreg s24  }
0xb2: {  	[dreg:$0x5] =	wrdreg $0x9  }
0xb3: {  	_ =	task.clear_ibuf [dreg:s8], $0x6FFFF;
	_ =	strace $0x90000046  }
0xb4: {  	s29 =	simm.s32 $0x9;
	_ =	strace $0x80000048  }
0xb5: {  	_ =	swait.ge [sflag:s29], $0x1  }
0xb6: {  	[sflag:s29] =	ssyncadd.s32 $0xFFFFFFFF  }
0xb7: {  	_ =	strace $0x90000048  }
0xb8: {  	_ =	sfence  }
0xb9: {  	s30 =	sld [smem:$0x0];
	_ =	sdelay $0x2  }
0xba: {  	s31 =	sshll.u32 s1, $0xD;
	s1 =	sshrl.u32 s1, $0x2  }
0xbb: {  	s3 =	sand.u32 $0x4000, s31;
	s1 =	sadd.s32 s1, s30  }
0xbc: {  	s0 =	sor.u32 s3, s0;
	s1 =	sshll.u32 s1, $0x11  }
0xbd: {  	s0 =	sor.u32 s1, s0  }
0xbe: {  	s0 =	sadd.s32 $0x8F2B, s0  }
0xbf: {  	[sflag:s0] =	ssyncadd.remote.s32 $0x1  }
0xc0: {  	_ =	sfence.sel $0xFFFF  }
0xc1: {  	[dreg:$0x0] =	wrdreg $0xFFFFFFFF;
	(pc) =	sbr.abs _section_cstart, $3  }
0xc2: {  	[dreg:$0x1] =	wrdreg $0xFFFFFFFF  }
0xc3: {  	_ =	task.clear_ibuf [dreg:s8], $0x2FFFF;
	_ =	strace $0x9FFFFFFF  }
0xc4: {  	(tm) =	ssettm $0x7FFFFFFF  }
0xc5: {  	_ =	shalt  }
tec
execute0_lowered:
.L_overlay_start_1:
0x0: {  	(tag) =	ssettag $0x1  }
0x1: {  	s7 =	rddreg [dreg:$0x0]  }
0x2: {  	s1 =	rddreg [dreg:$0x1]  }
0x3: {  	s3 =	rddreg [dreg:$0x2]  }
0x4: {  	s0 =	rddreg [dreg:$0x3];
	s2 =	simm.s32 $0x0;
	s4 =	srdreg.scid  }
0x5: {  	s12 =	simm.s32 $0x400;
	s13 =	simm.s32 $0x9;
	s14 =	simm.s32 $0xA  }
0x6: {  	s15 =	simm.s32 $0xB;
	s16 =	simm.s32 $0xC;
	s17 =	simm.s32 $0xD  }
0x7: {  	s18 =	simm.s32 $0xE;
	s19 =	simm.s32 $0xF;
	s20 =	simm.s32 $0x10  }
0x8: {  	s21 =	simm.s32 $0x0;
	[smem:$0x7FF] =	sst s2;
	s8 =	sand.u32 $0x1, s4  }
0x9: {  	s4 =	sadd.s32 $0x400, s3;
	s3 =	stileid.u32;
	_ =	strace $0x80000047  }
0xa: {  	s5 =	ssub.s32 $0x2, s8;
	s9 =	sshll.u32 s3, $0x6;
	s10 =	sshll.u32 s8, $0x5  }
0xb: {  	s31 =	sshll.u32 s3, $0x13;
	s8 =	sshll.u32 s8, $0x12;
	s6 =	sshrl.u32 s5, $0x1  }
0xc: {  	v3 =	vlaneseq.u32;
	s11 =	ssub.s32 s5, s6;
	s5 =	sor.u32 s10, s9;
	s6 =	sadd.s32 $0x10000, s7  }
0xd: {  	v0 =	vimm.f32 $0.0e+00;
	vm0 =	vmmov $0xffff;
	v2 =	vshrl.u32 v3, $0x3;
	s9 =	sadd.s32 s31, s7;
	s10 =	simm.s32 $0x18780;
	s7 =	smax.u32 s11, $0x1  }
0xe: {  	v1 =	vand.u32 $0x7, v3;
	v3 =	vor.u32 $0x8, v3;
	v2 =	vmul.u32 $0x8, v2;
	s8 =	sadd.s32 s8, s9;
	s9 =	simm.s32 $0x11;
	s11 =	simm.s32 $0x80  }
.LBB2_1:
0xf: {  	[tilespmem:s2], [sflag:$0x11] =	stream.linear.gather [hbm4b:s1+s2], $0x780, $0x38;
	[tilespmem:$0x1AB80] =	vst v63  }
0x10: {  	_ =	swait.ge [sflag:s9], $0x780  }
0x11: {  	[sflag:s9] =	ssyncset.done $0x0  }
0x12: {  	s22 =	simm.s32 $0x0;
	[sflag:s9] =	ssyncadd.s32 $0xFFFFF880  }
.LBB2_2:
0x13: {  	p0 =	sne.s32 s22, $0x8FC0  }
.Ltmp0:
0x14: {  	_ = 	snop;
	(pc) =	sbr.rel @p0 .LBB2_2-.Ltmp0, $3  }
0x15: {  	_ =	sdelay $0x1  }
0x16: {  	s23 =	sshra.s32 s22, $0x2  }
0x17: {  	s22 =	sadd.s32 $0x40, s22;
	[tilespmem:s23+$0x18780] =	vst v0  }
0x18: {  	s22 =	simm.s32 $0x0  }
0x19: {  	s23 =	simm.s32 $0x1;
	s24 =	smov.u32 s8;
	s25 =	simm.s32 $0x0  }
.LBB2_4:
0x1a: {  	v4 =	vld [tilespmem:$0x0];
	_ =	sdelay $0x4  }
0x1b: {  	v5 =	vshll.u32 v4, $0x1  }
0x1c: {  	v4 =	vand.u32 $0x7, v4;
	v5 =	vand.u32 $0xFFFFFFF0, v5  }
0x1d: {  	v4 =	vor.u32 v4, v5  }
0x1e: {  	v5 =	vperm.xlane v4, v1;
	_ =	sdelay $0x1  }
0x1f: {  	v4 =	vperm.xlane v4, v3;
	v5 =	vadd.s32 v2, v5;
	_ =	sdelay $0x1  }
0x20: {  	v4 =	vadd.s32 v2, v4  }
0x21: {  	s26 =	sshra.s32 s25, $0x2  }
0x22: {  	s28 =	sadd.s32 $0x780, s26  }
0x23: {  	[tilespmem:s28], [sflag:s23] =	stream.indirect_vreg.gather [hbm4b:s24+s22], $0x80, v5, vm0, $0xb8;
	[tilespmem:$0x1AB80] =	vst v63  }
0x24: {  	s31 =	sadd.s32 $0xF80, s26  }
0x25: {  	[tilespmem:s31], [sflag:s23] =	stream.indirect_vreg.gather [hbm4b:s24+s22], $0x80, v4, vm0, $0xb8;
	[tilespmem:$0x1AB80] =	vst v63  }
0x26: {  	v4 =	vld [tilespmem:$0x10];
	_ =	sdelay $0x4  }
0x27: {  	v5 =	vshll.u32 v4, $0x1  }
0x28: {  	v4 =	vand.u32 $0x7, v4;
	v5 =	vand.u32 $0xFFFFFFF0, v5  }
0x29: {  	v4 =	vor.u32 v4, v5  }
0x2a: {  	v5 =	vperm.xlane v4, v1;
	_ =	sdelay $0x1  }
0x2b: {  	v4 =	vperm.xlane v4, v3;
	v5 =	vadd.s32 v2, v5;
	_ =	sdelay $0x1  }
0x2c: {  	v4 =	vadd.s32 v2, v4;
	_ =	sdelay $0x1  }
0x2d: {  	s29 =	sadd.s32 $0x1780, s26  }
0x2e: {  	[tilespmem:s29], [sflag:s23] =	stream.indirect_vreg.gather [hbm4b:s24+s22], $0x80, v5, vm0, $0xb8;
	[tilespmem:$0x1AB80] =	vst v63  }
0x2f: {  	s30 =	sadd.s32 $0x1F80, s26  }
0x30: {  	[tilespmem:s30], [sflag:s23] =	stream.indirect_vreg.gather [hbm4b:s24+s22], $0x80, v4, vm0, $0xb8;
	[tilespmem:$0x1AB80] =	vst v63  }
0x31: {  	v4 =	vld [tilespmem:$0x20];
	_ =	sdelay $0x4  }
0x32: {  	v5 =	vshll.u32 v4, $0x1  }
0x33: {  	v4 =	vand.u32 $0x7, v4;
	v5 =	vand.u32 $0xFFFFFFF0, v5  }
0x34: {  	v4 =	vor.u32 v4, v5  }
0x35: {  	v5 =	vperm.xlane v4, v1;
	_ =	sdelay $0x1  }
0x36: {  	v4 =	vperm.xlane v4, v3;
	v5 =	vadd.s32 v2, v5;
	_ =	sdelay $0x1  }
0x37: {  	v4 =	vadd.s32 v2, v4  }
0x38: {  	p0 =	sne.s32 s25, $0x54000  }
.Ltmp1:
0x39: {  	s31 =	sadd.s32 $0x2780, s26;
	(pc) =	sbr.rel @p0 .LBB2_4-.Ltmp1, $4  }
0x3a: {  	[tilespmem:s31], [sflag:s23] =	stream.indirect_vreg.gather [hbm4b:s24+s22], $0x80, v5, vm0, $0xb8;
	[tilespmem:$0x1AB80] =	vst v63  }
0x3b: {  	s26 =	sadd.s32 $0x2F80, s26  }
0x3c: {  	[tilespmem:s26], [sflag:s23] =	stream.indirect_vreg.gather [hbm4b:s24+s22], $0x80, v4, vm0, $0xb8;
	[tilespmem:$0x1AB80] =	vst v63  }
0x3d: {  	s25 =	sadd.s32 $0xC000, s25;
	s23 =	sadd.s32 $0x1, s23;
	s24 =	sadd.s32 $0x2000, s24  }
.LBB2_5:
0x3e: {  	s28 =	sand.u32 $0x7, s22  }
0x3f: {  	s23 =	sadd.s32 $0x1, s28  }
0x40: {  	_ =	swait.ge [sflag:s23], $0x3000  }
0x41: {  	p0 =	slt.u32 s22, $0x8;
	[sflag:s23] =	ssyncset.done $0x0  }
0x42: {  	s24 =	sadd.s32 @!p0 $0x9, s28;
	[sflag:s23] =	ssyncadd.s32 $0xFFFFD000  }
0x43: {  	s25 =	smul.u32 $0xC000, s28;
	_ =	swait.ge @!p0 [sflag:s24], $0x480  }
0x44: {  	s29 =	smul.u32 $0x480, s28;
	[sflag:s24] =	ssyncset.done @!p0 $0x0  }
0x45: {  	s26 =	sor.u32 s5, s22;
	[sflag:s24] =	ssyncadd.s32 @!p0 $0xFFFFFB80;
	s24 =	sshrl.u32 s25, $0x2  }
0x46: {  	s30 =	simm.s32 $0xFFFFFFF8;
	s31 =	simm.s32 $0x2C0;
	v4 =	vmov s29;
	s25 =	sor.u32 $0x780, s24  }
.LBB2_6:
0x47: {  	v5 =	vld [tilespmem:s31+$0xFFFFFD70]  }
0x48: {  	v6 =	vld [tilespmem:s31+$0xFFFFFFE0];
	_ =	sdelay $0x4  }
0x49: {  	v7 =	vshll.u32 v5, $0x8;
	v8 =	vshll.u32 v6, $0x3  }
0x4a: {  	v5 =	vshll.u32 v5, $0x7;
	v7 =	vand.u32 $0xFFFFF800, v7;
	v8 =	vand.u32 $0xFFFFFC00, v8  }
0x4b: {  	v5 =	vand.u32 $0x380, v5;
	v7 =	vadd.s32 v7, v8  }
0x4c: {  	v6 =	vand.u32 $0x7F, v6;
	v5 =	vor.u32 v5, v7  }
0x4d: {  	v5 =	vor.u32 v6, v5;
	v6 =	vld [tilespmem:s31+$0x250];
	_ =	sdelay $0x4  }
0x4e: {  	v5 =	vld.idx.msk [tilespmem:v5+s25+$0x0], $0xffff;
	v6 =	vadd.s32 v4, v6;
	_ =	sdelay $0x4  }
0x4f: {  	[tilespmem:v6+s10+$0x0] =	vst.idx.msk $0xffff, v5  }
0x50: {  	v5 =	vld [tilespmem:s31+$0xFFFFFD80]  }
0x51: {  	v6 =	vld [tilespmem:s31+$0xFFFFFFF0];
	_ =	sdelay $0x4  }
0x52: {  	v7 =	vshll.u32 v5, $0x8;
	v57 =	vshll.u32 v6, $0x3  }
0x53: {  	v5 =	vshll.u32 v5, $0x7;
	v7 =	vand.u32 $0xFFFFF800, v7;
	v8 =	vand.u32 $0xFFFFFC00, v57  }
0x54: {  	v5 =	vand.u32 $0x380, v5;
	v7 =	vadd.s32 v7, v8  }
0x55: {  	v6 =	vand.u32 $0x7F, v6;
	v5 =	vor.u32 v5, v7  }
0x56: {  	v5 =	vor.u32 v6, v5;
	v6 =	vld [tilespmem:s31+$0x260];
	_ =	sdelay $0x4  }
0x57: {  	v5 =	vld.idx.msk [tilespmem:v5+s25+$0x0], $0xffff;
	v6 =	vadd.s32 v4, v6;
	_ =	sdelay $0x4  }
0x58: {  	[tilespmem:v6+s10+$0x0] =	vst.idx.msk $0xffff, v5  }
0x59: {  	v5 =	vld [tilespmem:s31+$0xFFFFFD90]  }
0x5a: {  	v6 =	vld [tilespmem:s31+$0x0];
	_ =	sdelay $0x4  }
0x5b: {  	v7 =	vshll.u32 v5, $0x8;
	v58 =	vshll.u32 v6, $0x3  }
0x5c: {  	v5 =	vshll.u32 v5, $0x7;
	v7 =	vand.u32 $0xFFFFF800, v7;
	v8 =	vand.u32 $0xFFFFFC00, v58  }
0x5d: {  	v5 =	vand.u32 $0x380, v5;
	v7 =	vadd.s32 v7, v8  }
0x5e: {  	v6 =	vand.u32 $0x7F, v6;
	v5 =	vor.u32 v5, v7  }
0x5f: {  	v5 =	vor.u32 v6, v5;
	v6 =	vld [tilespmem:s31+$0x270];
	_ =	sdelay $0x4  }
0x60: {  	v5 =	vld.idx.msk [tilespmem:v5+s25+$0x0], $0xffff;
	v6 =	vadd.s32 v4, v6;
	_ =	sdelay $0x4  }
0x61: {  	[tilespmem:v6+s10+$0x0] =	vst.idx.msk $0xffff, v5  }
0x62: {  	v5 =	vld [tilespmem:s31+$0xFFFFFDA0]  }
0x63: {  	v6 =	vld [tilespmem:s31+$0x10];
	_ =	sdelay $0x4  }
0x64: {  	v7 =	vshll.u32 v5, $0x8;
	v59 =	vshll.u32 v6, $0x3  }
0x65: {  	v5 =	vshll.u32 v5, $0x7;
	v7 =	vand.u32 $0xFFFFF800, v7;
	v8 =	vand.u32 $0xFFFFFC00, v59  }
0x66: {  	v5 =	vand.u32 $0x380, v5;
	v7 =	vadd.s32 v7, v8  }
0x67: {  	v6 =	vand.u32 $0x7F, v6;
	v5 =	vor.u32 v5, v7  }
0x68: {  	v5 =	vor.u32 v6, v5;
	v6 =	vld [tilespmem:s31+$0x280];
	_ =	sdelay $0x4  }
0x69: {  	v5 =	vld.idx.msk [tilespmem:v5+s25+$0x0], $0xffff;
	v6 =	vadd.s32 v4, v6;
	_ =	sdelay $0x4  }
0x6a: {  	[tilespmem:v6+s10+$0x0] =	vst.idx.msk $0xffff, v5  }
0x6b: {  	v5 =	vld [tilespmem:s31+$0xFFFFFDB0]  }
0x6c: {  	v6 =	vld [tilespmem:s31+$0x20];
	_ =	sdelay $0x4  }
0x6d: {  	v7 =	vshll.u32 v5, $0x8;
	v60 =	vshll.u32 v6, $0x3  }
0x6e: {  	v5 =	vshll.u32 v5, $0x7;
	v7 =	vand.u32 $0xFFFFF800, v7;
	v8 =	vand.u32 $0xFFFFFC00, v60  }
0x6f: {  	v5 =	vand.u32 $0x380, v5;
	v7 =	vadd.s32 v7, v8  }
0x70: {  	v6 =	vand.u32 $0x7F, v6;
	v5 =	vor.u32 v5, v7  }
0x71: {  	v5 =	vor.u32 v6, v5;
	v6 =	vld [tilespmem:s31+$0x290];
	_ =	sdelay $0x4  }
0x72: {  	v5 =	vld.idx.msk [tilespmem:v5+s25+$0x0], $0xffff;
	v6 =	vadd.s32 v4, v6;
	_ =	sdelay $0x4  }
0x73: {  	[tilespmem:v6+s10+$0x0] =	vst.idx.msk $0xffff, v5  }
0x74: {  	v5 =	vld [tilespmem:s31+$0xFFFFFDC0]  }
0x75: {  	v6 =	vld [tilespmem:s31+$0x30];
	_ =	sdelay $0x4  }
0x76: {  	v7 =	vshll.u32 v5, $0x8;
	v61 =	vshll.u32 v6, $0x3  }
0x77: {  	v5 =	vshll.u32 v5, $0x7;
	v7 =	vand.u32 $0xFFFFF800, v7;
	v8 =	vand.u32 $0xFFFFFC00, v61  }
0x78: {  	v5 =	vand.u32 $0x380, v5;
	v7 =	vadd.s32 v7, v8  }
0x79: {  	v6 =	vand.u32 $0x7F, v6;
	v5 =	vor.u32 v5, v7  }
0x7a: {  	v5 =	vor.u32 v6, v5;
	v6 =	vld [tilespmem:s31+$0x2A0];
	_ =	sdelay $0x4  }
0x7b: {  	v5 =	vld.idx.msk [tilespmem:v5+s25+$0x0], $0xffff;
	v6 =	vadd.s32 v4, v6;
	_ =	sdelay $0x4  }
0x7c: {  	[tilespmem:v6+s10+$0x0] =	vst.idx.msk $0xffff, v5  }
0x7d: {  	v5 =	vld [tilespmem:s31+$0xFFFFFDD0]  }
0x7e: {  	v6 =	vld [tilespmem:s31+$0x40];
	_ =	sdelay $0x4  }
0x7f: {  	v7 =	vshll.u32 v5, $0x8;
	v62 =	vshll.u32 v6, $0x3  }
0x80: {  	v5 =	vshll.u32 v5, $0x7;
	v7 =	vand.u32 $0xFFFFF800, v7;
	v8 =	vand.u32 $0xFFFFFC00, v62  }
0x81: {  	v5 =	vand.u32 $0x380, v5;
	v7 =	vadd.s32 v7, v8  }
0x82: {  	v6 =	vand.u32 $0x7F, v6;
	v5 =	vor.u32 v5, v7  }
0x83: {  	v5 =	vor.u32 v6, v5;
	v6 =	vld [tilespmem:s31+$0x2B0];
	_ =	sdelay $0x4  }
0x84: {  	v5 =	vld.idx.msk [tilespmem:v5+s25+$0x0], $0xffff;
	v6 =	vadd.s32 v4, v6;
	_ =	sdelay $0x4  }
0x85: {  	[tilespmem:v6+s10+$0x0] =	vst.idx.msk $0xffff, v5  }
0x86: {  	v5 =	vld [tilespmem:s31+$0xFFFFFDE0]  }
0x87: {  	v6 =	vld [tilespmem:s31+$0x50];
	_ =	sdelay $0x4  }
0x88: {  	v7 =	vshll.u32 v5, $0x8;
	v63 =	vshll.u32 v6, $0x3  }
0x89: {  	v5 =	vshll.u32 v5, $0x7;
	v7 =	vand.u32 $0xFFFFF800, v7;
	v8 =	vand.u32 $0xFFFFFC00, v63  }
0x8a: {  	v5 =	vand.u32 $0x380, v5;
	v7 =	vadd.s32 v7, v8  }
0x8b: {  	v6 =	vand.u32 $0x7F, v6;
	v5 =	vor.u32 v5, v7  }
0x8c: {  	v5 =	vor.u32 v6, v5;
	v6 =	vld [tilespmem:s31+$0x2C0];
	_ =	sdelay $0x3  }
0x8d: {  	s30 =	sadd.s32 $0x8, s30  }
0x8e: {  	p0 =	slt.u32 s30, $0x18;
	v5 =	vld.idx.msk [tilespmem:v5+s25+$0x0], $0xffff;
	v6 =	vadd.s32 v4, v6  }
.Ltmp2:
0x8f: {  	_ = 	snop;
	(pc) =	sbr.rel @p0 .LBB2_6-.Ltmp2, $2  }
0x90: {  	_ =	sdelay $0x2  }
0x91: {  	s31 =	sadd.s32 $0x80, s31;
	[tilespmem:v6+s10+$0x0] =	vst.idx.msk $0xffff, v5  }
0x92: {  	v5 =	vld [tilespmem:$0x230]  }
0x93: {  	v6 =	vld [tilespmem:$0x4A0];
	_ =	sdelay $0x4  }
0x94: {  	v7 =	vshll.u32 v5, $0x8;
	v8 =	vshll.u32 v6, $0x3  }
0x95: {  	v5 =	vshll.u32 v5, $0x7;
	v7 =	vand.u32 $0xFFFFF800, v7;
	v8 =	vand.u32 $0xFFFFFC00, v8  }
0x96: {  	v5 =	vand.u32 $0x380, v5;
	v7 =	vadd.s32 v7, v8  }
0x97: {  	v6 =	vand.u32 $0x7F, v6;
	v5 =	vor.u32 v5, v7  }
0x98: {  	v45 =	vld [tilespmem:$0x710];
	v5 =	vor.u32 v6, v5;
	_ =	sdelay $0x4  }
0x99: {  	v6 =	vadd.s32 v4, v45;
	v5 =	vld.idx.msk [tilespmem:v5+s25+$0x0], $0xffff;
	_ =	sdelay $0x4  }
0x9a: {  	[tilespmem:v6+s10+$0x0] =	vst.idx.msk $0xffff, v5  }
0x9b: {  	v5 =	vld [tilespmem:$0x240]  }
0x9c: {  	v6 =	vld [tilespmem:$0x4B0];
	_ =	sdelay $0x4  }
0x9d: {  	v46 =	vshll.u32 v5, $0x8;
	v47 =	vshll.u32 v6, $0x3  }
0x9e: {  	v5 =	vshll.u32 v5, $0x7;
	v7 =	vand.u32 $0xFFFFF800, v46;
	v8 =	vand.u32 $0xFFFFFC00, v47  }
0x9f: {  	v5 =	vand.u32 $0x380, v5;
	v7 =	vadd.s32 v7, v8  }
0xa0: {  	v6 =	vand.u32 $0x7F, v6;
	v5 =	vor.u32 v5, v7  }
0xa1: {  	v48 =	vld [tilespmem:$0x720];
	v5 =	vor.u32 v6, v5;
	_ =	sdelay $0x4  }
0xa2: {  	v6 =	vadd.s32 v4, v48;
	v5 =	vld.idx.msk [tilespmem:v5+s25+$0x0], $0xffff;
	_ =	sdelay $0x4  }
0xa3: {  	[tilespmem:v6+s10+$0x0] =	vst.idx.msk $0xffff, v5  }
0xa4: {  	v5 =	vld [tilespmem:$0x250]  }
0xa5: {  	v6 =	vld [tilespmem:$0x4C0];
	_ =	sdelay $0x4  }
0xa6: {  	v49 =	vshll.u32 v5, $0x8;
	v50 =	vshll.u32 v6, $0x3  }
0xa7: {  	v5 =	vshll.u32 v5, $0x7;
	v7 =	vand.u32 $0xFFFFF800, v49;
	v8 =	vand.u32 $0xFFFFFC00, v50  }
0xa8: {  	v5 =	vand.u32 $0x380, v5;
	v7 =	vadd.s32 v7, v8  }
0xa9: {  	v6 =	vand.u32 $0x7F, v6;
	v5 =	vor.u32 v5, v7  }
0xaa: {  	v51 =	vld [tilespmem:$0x730];
	v5 =	vor.u32 v6, v5;
	_ =	sdelay $0x4  }
0xab: {  	v6 =	vadd.s32 v4, v51;
	v5 =	vld.idx.msk [tilespmem:v5+s25+$0x0], $0xffff;
	_ =	sdelay $0x4  }
0xac: {  	[tilespmem:v6+s10+$0x0] =	vst.idx.msk $0xffff, v5  }
0xad: {  	v5 =	vld [tilespmem:$0x260]  }
0xae: {  	v6 =	vld [tilespmem:$0x4D0];
	_ =	sdelay $0x4  }
0xaf: {  	v52 =	vshll.u32 v5, $0x8;
	v53 =	vshll.u32 v6, $0x3  }
0xb0: {  	v5 =	vshll.u32 v5, $0x7;
	v7 =	vand.u32 $0xFFFFF800, v52;
	v8 =	vand.u32 $0xFFFFFC00, v53  }
0xb1: {  	v5 =	vand.u32 $0x380, v5;
	v7 =	vadd.s32 v7, v8  }
0xb2: {  	v6 =	vand.u32 $0x7F, v6;
	v5 =	vor.u32 v5, v7  }
0xb3: {  	v54 =	vld [tilespmem:$0x740];
	v5 =	vor.u32 v6, v5;
	_ =	sdelay $0x4  }
0xb4: {  	v6 =	vadd.s32 v4, v54;
	v5 =	vld.idx.msk [tilespmem:v5+s25+$0x0], $0xffff;
	_ =	sdelay $0x4  }
0xb5: {  	[tilespmem:v6+s10+$0x0] =	vst.idx.msk $0xffff, v5  }
0xb6: {  	v5 =	vld [tilespmem:$0x270]  }
0xb7: {  	v6 =	vld [tilespmem:$0x4E0];
	_ =	sdelay $0x4  }
0xb8: {  	v55 =	vshll.u32 v5, $0x8;
	v56 =	vshll.u32 v6, $0x3  }
0xb9: {  	v5 =	vshll.u32 v5, $0x7;
	v7 =	vand.u32 $0xFFFFF800, v55;
	v8 =	vand.u32 $0xFFFFFC00, v56  }
0xba: {  	v5 =	vand.u32 $0x380, v5;
	v7 =	vadd.s32 v7, v8  }
0xbb: {  	v6 =	vand.u32 $0x7F, v6;
	v5 =	vor.u32 v5, v7  }
0xbc: {  	v57 =	vld [tilespmem:$0x750];
	v5 =	vor.u32 v6, v5;
	_ =	sdelay $0x4  }
0xbd: {  	v6 =	vadd.s32 v4, v57;
	v5 =	vld.idx.msk [tilespmem:v5+s25+$0x0], $0xffff;
	_ =	sdelay $0x4  }
0xbe: {  	[tilespmem:v6+s10+$0x0] =	vst.idx.msk $0xffff, v5  }
0xbf: {  	v5 =	vld [tilespmem:$0x280]  }
0xc0: {  	v6 =	vld [tilespmem:$0x4F0];
	_ =	sdelay $0x4  }
0xc1: {  	v58 =	vshll.u32 v5, $0x8;
	v59 =	vshll.u32 v6, $0x3  }
0xc2: {  	v5 =	vshll.u32 v5, $0x7;
	v7 =	vand.u32 $0xFFFFF800, v58;
	v8 =	vand.u32 $0xFFFFFC00, v59  }
0xc3: {  	v5 =	vand.u32 $0x380, v5;
	v7 =	vadd.s32 v7, v8  }
0xc4: {  	v6 =	vand.u32 $0x7F, v6;
	v5 =	vor.u32 v5, v7  }
0xc5: {  	v60 =	vld [tilespmem:$0x760];
	v5 =	vor.u32 v6, v5;
	_ =	sdelay $0x4  }
0xc6: {  	v6 =	vadd.s32 v4, v60;
	v5 =	vld.idx.msk [tilespmem:v5+s25+$0x0], $0xffff;
	_ =	sdelay $0x4  }
0xc7: {  	[tilespmem:v6+s10+$0x0] =	vst.idx.msk $0xffff, v5  }
0xc8: {  	v5 =	vld [tilespmem:$0x290]  }
0xc9: {  	v6 =	vld [tilespmem:$0x500];
	_ =	sdelay $0x4  }
0xca: {  	v61 =	vshll.u32 v5, $0x8;
	v62 =	vshll.u32 v6, $0x3  }
0xcb: {  	v5 =	vshll.u32 v5, $0x7;
	v7 =	vand.u32 $0xFFFFF800, v61;
	v8 =	vand.u32 $0xFFFFFC00, v62  }
0xcc: {  	v5 =	vand.u32 $0x380, v5;
	v7 =	vadd.s32 v7, v8  }
0xcd: {  	v6 =	vand.u32 $0x7F, v6;
	v5 =	vor.u32 v5, v7  }
0xce: {  	v63 =	vld [tilespmem:$0x770];
	v5 =	vor.u32 v6, v5;
	_ =	sdelay $0x4  }
0xcf: {  	s30 =	sshrl.u32 s26, $0x3;
	v4 =	vadd.s32 v4, v63;
	v5 =	vld.idx.msk [tilespmem:v5+s25+$0x0], $0xffff  }
0xd0: {  	s31 =	sshll.u32 s22, $0x7;
	s30 =	smul.u32 $0x2400, s30  }
0xd1: {  	s31 =	sand.u32 $0x380, s31  }
0xd2: {  	s30 =	sor.u32 s31, s30  }
0xd3: {  	s28 =	sadd.s32 $0x9, s28;
	s30 =	sshrl.u32 s30, $0x3  }
0xd4: {  	s29 =	sadd.s32 $0x18780, s29;
	p0 =	sgt.u32 s22, $0x17;
	s30 =	sadd.s32 s4, s30;
	[tilespmem:v4+s10+$0x0] =	vst.idx.msk $0xfff, v5  }
0xd5: {  	[hbm4b:s30+s11] =	stream.strided.scatter [tilespmem:s29], [sflag:s28], $0x480, s12, s11, $0x38;
	[tilespmem:$0x1AB80] =	vst v63  }
0xd6: {  	v4 =	vld @!p0 [tilespmem:$0x0];
	_ =	sdelay $0x4  }
0xd7: {  	v5 =	vshll.u32 @!p0 v4, $0x1  }
0xd8: {  	v6 =	vlaneseq.u32 @!p0;
	v4 =	vand.u32 @!p0 $0x7, v4;
	v5 =	vand.u32 @!p0 $0xFFFFFFF0, v5  }
0xd9: {  	v7 =	vshrl.u32 @!p0 v6, $0x3;
	v4 =	vor.u32 @!p0 v4, v5;
	v5 =	vand.u32 @!p0 $0x7, v6  }
0xda: {  	v7 =	vmul.u32 @!p0 $0x8, v7;
	v8 =	vperm.xlane @!p0 v4, v5  }
0xdb: {  	v6 =	vor.u32 @!p0 $0x8, v6  }
0xdc: {  	v4 =	vperm.xlane @!p0 v4, v6;
	v8 =	vadd.s32 @!p0 v7, v8;
	_ =	sdelay $0x1  }
0xdd: {  	v4 =	vadd.s32 @!p0 v7, v4  }
0xde: {  	s26 =	sshll.u32 @!p0 s26, $0xD  }
0xdf: {  	vm1 =	vmmov @!p0 $0xffff;
	s26 =	sadd.s32 @!p0 s26, s6;
	s28 =	simm.s32 @!p0 $0x0  }
0xe0: {  	[tilespmem:s25], [sflag:s23] =	stream.indirect_vreg.gather @!p0 [hbm4b:s26+s28], $0x80, v8, vm1, $0xb8;
	[tilespmem:$0x1AB80] =	vst v63  }
0xe1: {  	s25 =	sadd.s32 @!p0 $0xF80, s24  }
0xe2: {  	[tilespmem:s25], [sflag:s23] =	stream.indirect_vreg.gather @!p0 [hbm4b:s26+s28], $0x80, v4, vm1, $0xb8;
	[tilespmem:$0x1AB80] =	vst v63  }
0xe3: {  	v4 =	vld @!p0 [tilespmem:$0x10];
	_ =	sdelay $0x4  }
0xe4: {  	v8 =	vshll.u32 @!p0 v4, $0x1  }
0xe5: {  	v4 =	vand.u32 @!p0 $0x7, v4;
	v8 =	vand.u32 @!p0 $0xFFFFFFF0, v8  }
0xe6: {  	v4 =	vor.u32 @!p0 v4, v8  }
0xe7: {  	v8 =	vperm.xlane @!p0 v4, v5;
	_ =	sdelay $0x1  }
0xe8: {  	v4 =	vperm.xlane @!p0 v4, v6;
	v8 =	vadd.s32 @!p0 v7, v8;
	_ =	sdelay $0x1  }
0xe9: {  	v4 =	vadd.s32 @!p0 v7, v4;
	_ =	sdelay $0x1  }
0xea: {  	s25 =	sadd.s32 @!p0 $0x1780, s24  }
0xeb: {  	[tilespmem:s25], [sflag:s23] =	stream.indirect_vreg.gather @!p0 [hbm4b:s26+s28], $0x80, v8, vm1, $0xb8;
	[tilespmem:$0x1AB80] =	vst v63  }
0xec: {  	s25 =	sadd.s32 @!p0 $0x1F80, s24  }
0xed: {  	[tilespmem:s25], [sflag:s23] =	stream.indirect_vreg.gather @!p0 [hbm4b:s26+s28], $0x80, v4, vm1, $0xb8;
	[tilespmem:$0x1AB80] =	vst v63  }
0xee: {  	v4 =	vld @!p0 [tilespmem:$0x20];
	_ =	sdelay $0x4  }
0xef: {  	v8 =	vshll.u32 @!p0 v4, $0x1  }
0xf0: {  	v4 =	vand.u32 @!p0 $0x7, v4;
	v8 =	vand.u32 @!p0 $0xFFFFFFF0, v8  }
0xf1: {  	v4 =	vor.u32 @!p0 v4, v8  }
0xf2: {  	v5 =	vperm.xlane @!p0 v4, v5;
	_ =	sdelay $0x1  }
0xf3: {  	v4 =	vperm.xlane @!p0 v4, v6;
	v5 =	vadd.s32 @!p0 v7, v5;
	_ =	sdelay $0x1  }
0xf4: {  	v4 =	vadd.s32 @!p0 v7, v4;
	_ =	sdelay $0x1  }
0xf5: {  	s25 =	sadd.s32 @!p0 $0x2780, s24  }
0xf6: {  	[tilespmem:s25], [sflag:s23] =	stream.indirect_vreg.gather @!p0 [hbm4b:s26+s28], $0x80, v5, vm1, $0xb8;
	[tilespmem:$0x1AB80] =	vst v63  }
0xf7: {  	s22 =	sadd.s32 $0x1, s22;
	s24 =	sadd.s32 @!p0 $0x2F80, s24  }
0xf8: {  	[tilespmem:s24], [sflag:s23] =	stream.indirect_vreg.gather @!p0 [hbm4b:s26+s28], $0x80, v4, vm1, $0xb8;
	[tilespmem:$0x1AB80] =	vst v63  }
0xf9: {  	p0 =	sne.s32 s22, $0x20  }
.Ltmp3:
0xfa: {  	_ = 	snop;
	(pc) =	sbr.rel @p0 .LBB2_5-.Ltmp3, $1  }
0xfb: {  	_ =	sdelay $0x3  }
0xfc: {  	_ =	swait.ge [sflag:s13], $0x480  }
0xfd: {  	[sflag:s13] =	ssyncset.done $0x0  }
0xfe: {  	[sflag:s13] =	ssyncadd.s32 $0xFFFFFB80  }
0xff: {  	_ =	swait.ge [sflag:s14], $0x480  }
0x100: {  	[sflag:s14] =	ssyncset.done $0x0  }
0x101: {  	[sflag:s14] =	ssyncadd.s32 $0xFFFFFB80  }
0x102: {  	_ =	swait.ge [sflag:s15], $0x480  }
0x103: {  	[sflag:s15] =	ssyncset.done $0x0  }
0x104: {  	[sflag:s15] =	ssyncadd.s32 $0xFFFFFB80  }
0x105: {  	_ =	swait.ge [sflag:s16], $0x480  }
0x106: {  	[sflag:s16] =	ssyncset.done $0x0  }
0x107: {  	[sflag:s16] =	ssyncadd.s32 $0xFFFFFB80  }
0x108: {  	_ =	swait.ge [sflag:s17], $0x480  }
0x109: {  	[sflag:s17] =	ssyncset.done $0x0  }
0x10a: {  	[sflag:s17] =	ssyncadd.s32 $0xFFFFFB80  }
0x10b: {  	_ =	swait.ge [sflag:s18], $0x480  }
0x10c: {  	[sflag:s18] =	ssyncset.done $0x0  }
0x10d: {  	s21 =	sadd.s32 $0x1, s21;
	[sflag:s18] =	ssyncadd.s32 $0xFFFFFB80  }
0x10e: {  	p0 =	sne.s32 s21, s7;
	_ =	swait.ge [sflag:s19], $0x480  }
.Ltmp4:
0x10f: {  	[sflag:s19] =	ssyncset.done $0x0;
	(pc) =	sbr.rel @p0 .LBB2_1-.Ltmp4, $4  }
0x110: {  	[sflag:s19] =	ssyncadd.s32 $0xFFFFFB80  }
0x111: {  	_ =	swait.ge [sflag:s20], $0x480  }
0x112: {  	[sflag:s20] =	ssyncset.done $0x0  }
0x113: {  	[sflag:s20] =	ssyncadd.s32 $0xFFFFFB80  }
0x114: {  	_ =	sfence.sel $0x180000  }
0x115: {  	[bflag:$0x0] =	sbarrier.arrive $0xFFFF  }
0x116: {  	p0 =	sne.s32 s3, $0x0;
	_ =	strace $0x90000047  }
0x117: {  	s0 =	sadd.s32 @!p0 $0x100000, s0;
	[bflag:$0x2] =	sbarrier.arrive $0xFFFF  }
0x118: {  	[sflag:s0] =	ssyncadd.tile.s32 @!p0 $0x1;
	_ =	shalt  }
.Lfunc_end2:
_tile_overlayer_lowered:
.L_overlay_start_2:
0x119: {  	(tag) =	ssettag $0x2  }
0x11a: {  	s0 =	rddreg [dreg:$0x0];
	s2 =	stileid.u32  }
0x11b: {  	s1 =	rddreg [dreg:$0x1];
	p0 =	sne.s32 s2, $0x0  }
0x11c: {  	s3 =	rddreg [dreg:$0x2];
	[bflag:$0x3] =	sbarrier.arrive $0xFFFF;
	s2 =	simm.s32 @!p0 $0x1C11  }
0x11d: {  	[timem:s3], [sflag:s2] =	dma.local @!p0 [hbm:s0], s1  }
0x11e: {  	s0 =	simm.s32 @!p0 $0x11  }
0x11f: {  	_ =	swait.ge @!p0 [sflag:s0], s1  }
0x120: {  	s1 =	ssub.s32 @!p0 $0x0, s1;
	[sflag:s0] =	ssyncset.done @!p0 $0x0  }
0x121: {  	[sflag:s0] =	ssyncadd.s32 @!p0 s1  }
0x122: {  	[bflag:$0x3] =	sbarrier.arrive $0xFFFF  }
0x123: {  	_ =	shalt  }

</sc_bundles>
